<compile_context>
chip_gen: v7x
topology: tpu7x:2x2x1
jax: 0.10.2.dev20260603
libtpu: 0.0.44.dev20260713+nightly
codegen_flags: <defaults>
</compile_context>

<pallas_src>
import jax
import jax.numpy as jnp
from jax import lax
from jax.experimental import pallas as pl
from jax.experimental.pallas import tpu as pltpu
from jax.experimental.pallas import tpu_sc as plsc

_D = 32
_B = 16384
_NC = 2
_NS = 16
_NW = _NC * _NS
_BPW = _B // _NW
_CHUNK = 128
_NCHUNK = _BPW // _CHUNK
_STW = _BPW + 3


def _body(idx_hbm, msk_hbm, tbl_hbm, unk_hbm, out_hbm,
          idx_v, msk_v, unk_v, rows_v, st_v, sem):
    wid = lax.axis_index("s") * _NC + lax.axis_index("c")
    base = wid * _BPW

    pltpu.sync_copy(idx_hbm.at[pl.ds(base, _BPW)], idx_v)
    copies = [
        pltpu.async_copy(tbl_hbm.at[idx_v.at[pl.ds(j * _CHUNK, _CHUNK)]],
                         rows_v.at[pl.ds(j * _CHUNK, _CHUNK)], sem)
        for j in range(_NCHUNK)
    ]
    pltpu.sync_copy(msk_hbm.at[pl.ds(base, _BPW)], msk_v)
    pltpu.sync_copy(unk_hbm, unk_v)
    u0 = unk_v[pl.ds(0, 16)]
    u1 = unk_v[pl.ds(16, 16)]
    for c in copies:
        c.wait()

    col_lo = lax.iota(jnp.int32, 16)
    col_hi = col_lo + 16

    def blend(g, carry):
        m16 = msk_v[pl.ds(g * 16, 16)]
        for r in range(16):
            i = g * 16 + r
            keep = m16[r] != 0
            item = jnp.full((16,), i, jnp.int32)
            e0 = jnp.where(keep, rows_v[i, pl.ds(0, 16)], u0)
            e1 = jnp.where(keep, rows_v[i, pl.ds(16, 16)], u1)
            plsc.store_scatter(st_v, [col_lo, item], e0)
            plsc.store_scatter(st_v, [col_hi, item], e1)
        return carry

    lax.fori_loop(0, _BPW // 16, blend, 0)

    pltpu.sync_copy(st_v.at[:, pl.ds(0, _BPW)],
                    out_hbm.at[:, pl.ds(base, _BPW)])


def kernel(regime_id, regime_seen_mask, mu_embedding, logvar_embedding,
           mu_unknown, logvar_unknown):
    idx = regime_id.astype(jnp.int32)
    mesh = plsc.VectorSubcoreMesh(core_axis_name="c", subcore_axis_name="s")
    f = pl.kernel(
        _body,
        out_type=jax.ShapeDtypeStruct((_D, _B), jnp.float32),
        mesh=mesh,
        compiler_params=pltpu.CompilerParams(use_tc_tiling_on_sc=False,
                                             needs_layout_passes=False),
        scratch_types=[
            pltpu.VMEM((_BPW,), jnp.int32),
            pltpu.VMEM((_BPW,), jnp.int32),
            pltpu.VMEM((_D,), jnp.float32),
            pltpu.VMEM((_BPW, _D), jnp.float32),
            pltpu.VMEM((_D, _STW), jnp.float32),
            pltpu.SemaphoreType.DMA,
        ],
    )
    o_mu_t = f(idx, regime_seen_mask, mu_embedding, mu_unknown)
    o_lv_t = f(idx, regime_seen_mask, logvar_embedding, logvar_unknown)
    return (o_mu_t.T, o_lv_t.T)

# --- scband reference (transcript-rebuilt; emitter-appended) ---
"""Pipeline reference for scband-gaussian-sexogenous-prior-39530878992917 (READ-ONLY COPY).

The authoritative reference and input builder live on the scoring server;
editing this copy changes nothing except your own understanding.
"""

import jax, jax.numpy as jnp
import numpy as np

NUM_REGIMES = 100000
LATENT_DIM = 32
BATCH = 16384


def setup_inputs(seed: int = 0) -> dict:
    key = jax.random.key(seed)
    k1, k2, k3, k4, k5, k6 = jax.random.split(key, 6)
    regime_id = jax.random.randint(k1, (BATCH,), 0, NUM_REGIMES, dtype=jnp.int64 if jax.config.jax_enable_x64 else jnp.int32)
    regime_seen_mask = jax.random.randint(k2, (BATCH,), 0, 2).astype(bool)
    mu_embedding = jax.random.normal(k3, (NUM_REGIMES, LATENT_DIM), dtype=jnp.float32) * 0.02
    logvar_embedding = jax.random.normal(k4, (NUM_REGIMES, LATENT_DIM), dtype=jnp.float32) * 0.02
    mu_unknown = jax.random.normal(k5, (LATENT_DIM,), dtype=jnp.float32) * 0.02
    logvar_unknown = jax.random.normal(k6, (LATENT_DIM,), dtype=jnp.float32) * 0.02
    return {
        "regime_id": regime_id,
        "regime_seen_mask": regime_seen_mask,
        "mu_embedding": mu_embedding,
        "logvar_embedding": logvar_embedding,
        "mu_unknown": mu_unknown,
        "logvar_unknown": logvar_unknown,
    }


def reference(regime_id, regime_seen_mask, mu_embedding, logvar_embedding, mu_unknown, logvar_unknown):
    # _resolve_regime_inputs: both provided, mask -> bool
    mask = regime_seen_mask.astype(bool)
    # regime_embedded mode: clamp ids, gather embeddings
    regime_id_safe = jnp.clip(regime_id, 0, NUM_REGIMES - 1)
    mu_seen = jnp.take(mu_embedding, regime_id_safe, axis=0)
    logvar_seen = jnp.take(logvar_embedding, regime_id_safe, axis=0)
    mu_unk = jnp.broadcast_to(mu_unknown[None, :], mu_seen.shape)
    logvar_unk = jnp.broadcast_to(logvar_unknown[None, :], logvar_seen.shape)
    m = mask[:, None]
    mu = jnp.where(m, mu_seen, mu_unk)
    logvar = jnp.where(m, logvar_seen, logvar_unk)
    # seq_len is None -> no expansion
    return (mu, logvar)

if __name__ == "__main__":
    import jax
    _d = setup_inputs()
    print(jax.jit(kernel)(*tuple(_d.values())))

</pallas_src>

<mosaic_0001>
#map = affine_map<(d0, d1) -> (0)>
#map1 = affine_map<(d0, d1) -> (0, 0)>
module attributes {stable_mosaic.version = 14 : i64} {
  func.func @_body(%arg0: i32, %arg1: i32, %arg2: memref<16384xi32, #tpu.memory_space<hbm>>, %arg3: memref<16384xi32, #tpu.memory_space<hbm>>, %arg4: memref<100000x32xf32, #tpu.memory_space<hbm>>, %arg5: memref<32xf32, #tpu.memory_space<hbm>>, %arg6: memref<32x16384xf32, #tpu.memory_space<hbm>>, %arg7: memref<512xi32, #tpu.memory_space<vmem>>, %arg8: memref<512xi32, #tpu.memory_space<vmem>>, %arg9: memref<32xf32, #tpu.memory_space<vmem>>, %arg10: memref<512x32xf32, #tpu.memory_space<vmem>>, %arg11: memref<32x515xf32, #tpu.memory_space<vmem>>, %arg12: memref<!tpu.dma_semaphore, #tpu.memory_space<semaphore_mem>>) attributes {dimension_semantics = [#tpu.dimension_semantics<core_parallel>, #tpu.dimension_semantics<subcore_parallel>], iteration_bounds = array<i64: 2, 16>, scalar_prefetch = 0 : i64, scratch_operands = 6 : i64, tpu.core_type = #tpu.core_type<sc_vector_subcore>, window_params = [{transform_indices = #map}, {transform_indices = #map}, {transform_indices = #map1}, {transform_indices = #map}, {transform_indices = #map1}]} {
    %mul3A = arith.constant 2 : i32
    %mul3A_0 = arith.muli %arg1, %mul3A : i32
    %add3A = arith.addi %mul3A_0, %arg0 : i32
    %mul3A_1 = arith.constant 512 : i32
    %mul3A_2 = arith.muli %add3A, %mul3A_1 : i32
    "tpu.region"() ({
      %run_scoped3A = tpu.sem_alloc : memref<!tpu.dma_semaphore, #tpu.memory_space<semaphore_mem>>
      %dma_start3A_76 = tpu.memref_slice %arg2[%mul3A_2] : memref<16384xi32, #tpu.memory_space<hbm>> -> memref<512xi32, #tpu.memory_space<hbm>>
      %dma_start3A_77 = tpu.memref_slice %arg2[%mul3A_2] : memref<16384xi32, #tpu.memory_space<hbm>> -> memref<512xi32, #tpu.memory_space<hbm>>
      tpu.enqueue_dma source(%dma_start3A_77 : memref<512xi32, #tpu.memory_space<hbm>>) target(%arg7 : memref<512xi32, #tpu.memory_space<vmem>>) target_semaphore(%run_scoped3A : memref<!tpu.dma_semaphore, #tpu.memory_space<semaphore_mem>>)
      %dma_wait3A_78 = tpu.memref_slice %arg2[%mul3A_2] : memref<16384xi32, #tpu.memory_space<hbm>> -> memref<512xi32, #tpu.memory_space<hbm>>
      %dma_wait3A_79 = tpu.memref_slice %arg2[%mul3A_2] : memref<16384xi32, #tpu.memory_space<hbm>> -> memref<512xi32, #tpu.memory_space<hbm>>
      tpu.wait_dma2 semaphore(%run_scoped3A : memref<!tpu.dma_semaphore, #tpu.memory_space<semaphore_mem>>) src(%dma_wait3A_79 : memref<512xi32, #tpu.memory_space<hbm>>) dst(%arg7 : memref<512xi32, #tpu.memory_space<vmem>>)
      tpu.yield
    }) : () -> ()
    %dma_start3A = arith.constant 0 : i32
    %dma_start3A_3 = arith.constant 0 : i32
    %dma_start3A_4 = tpu.memref_slice %arg10[%dma_start3A, %dma_start3A_3] : memref<512x32xf32, #tpu.memory_space<vmem>> -> memref<128x32xf32, #tpu.memory_space<vmem>>
    %dma_start3A_5 = arith.constant 0 : i32
    %dma_start3A_6 = tpu.memref_slice %arg7[%dma_start3A_5] : memref<512xi32, #tpu.memory_space<vmem>> -> memref<128xi32, #tpu.memory_space<vmem>>
    %dma_start3A_7 = arith.constant 0 : i32
    %dma_start3A_8 = arith.constant 0 : i32
    %dma_start3A_9 = tpu.memref_slice %arg4[%dma_start3A_7, %dma_start3A_8] : memref<100000x32xf32, #tpu.memory_space<hbm>> -> memref<100000x32xf32, #tpu.memory_space<hbm>>
    tpu.enqueue_indirect_dma source(%dma_start3A_9 : memref<100000x32xf32, #tpu.memory_space<hbm>>) target(%dma_start3A_4 : memref<128x32xf32, #tpu.memory_space<vmem>>) offsets(%dma_start3A_6 : memref<128xi32, #tpu.memory_space<vmem>>) semaphore(%arg12 : memref<!tpu.dma_semaphore, #tpu.memory_space<semaphore_mem>>)
    %dma_start3A_10 = arith.constant 128 : i32
    %dma_start3A_11 = arith.constant 0 : i32
    %dma_start3A_12 = tpu.memref_slice %arg10[%dma_start3A_10, %dma_start3A_11] : memref<512x32xf32, #tpu.memory_space<vmem>> -> memref<128x32xf32, #tpu.memory_space<vmem>>
    %dma_start3A_13 = arith.constant 128 : i32
    %dma_start3A_14 = tpu.memref_slice %arg7[%dma_start3A_13] : memref<512xi32, #tpu.memory_space<vmem>> -> memref<128xi32, #tpu.memory_space<vmem>>
    %dma_start3A_15 = arith.constant 0 : i32
    %dma_start3A_16 = arith.constant 0 : i32
    %dma_start3A_17 = tpu.memref_slice %arg4[%dma_start3A_15, %dma_start3A_16] : memref<100000x32xf32, #tpu.memory_space<hbm>> -> memref<100000x32xf32, #tpu.memory_space<hbm>>
    tpu.enqueue_indirect_dma source(%dma_start3A_17 : memref<100000x32xf32, #tpu.memory_space<hbm>>) target(%dma_start3A_12 : memref<128x32xf32, #tpu.memory_space<vmem>>) offsets(%dma_start3A_14 : memref<128xi32, #tpu.memory_space<vmem>>) semaphore(%arg12 : memref<!tpu.dma_semaphore, #tpu.memory_space<semaphore_mem>>)
    %dma_start3A_18 = arith.constant 256 : i32
    %dma_start3A_19 = arith.constant 0 : i32
    %dma_start3A_20 = tpu.memref_slice %arg10[%dma_start3A_18, %dma_start3A_19] : memref<512x32xf32, #tpu.memory_space<vmem>> -> memref<128x32xf32, #tpu.memory_space<vmem>>
    %dma_start3A_21 = arith.constant 256 : i32
    %dma_start3A_22 = tpu.memref_slice %arg7[%dma_start3A_21] : memref<512xi32, #tpu.memory_space<vmem>> -> memref<128xi32, #tpu.memory_space<vmem>>
    %dma_start3A_23 = arith.constant 0 : i32
    %dma_start3A_24 = arith.constant 0 : i32
    %dma_start3A_25 = tpu.memref_slice %arg4[%dma_start3A_23, %dma_start3A_24] : memref<100000x32xf32, #tpu.memory_space<hbm>> -> memref<100000x32xf32, #tpu.memory_space<hbm>>
    tpu.enqueue_indirect_dma source(%dma_start3A_25 : memref<100000x32xf32, #tpu.memory_space<hbm>>) target(%dma_start3A_20 : memref<128x32xf32, #tpu.memory_space<vmem>>) offsets(%dma_start3A_22 : memref<128xi32, #tpu.memory_space<vmem>>) semaphore(%arg12 : memref<!tpu.dma_semaphore, #tpu.memory_space<semaphore_mem>>)
    %dma_start3A_26 = arith.constant 384 : i32
    %dma_start3A_27 = arith.constant 0 : i32
    %dma_start3A_28 = tpu.memref_slice %arg10[%dma_start3A_26, %dma_start3A_27] : memref<512x32xf32, #tpu.memory_space<vmem>> -> memref<128x32xf32, #tpu.memory_space<vmem>>
    %dma_start3A_29 = arith.constant 384 : i32
    %dma_start3A_30 = tpu.memref_slice %arg7[%dma_start3A_29] : memref<512xi32, #tpu.memory_space<vmem>> -> memref<128xi32, #tpu.memory_space<vmem>>
    %dma_start3A_31 = arith.constant 0 : i32
    %dma_start3A_32 = arith.constant 0 : i32
    %dma_start3A_33 = tpu.memref_slice %arg4[%dma_start3A_31, %dma_start3A_32] : memref<100000x32xf32, #tpu.memory_space<hbm>> -> memref<100000x32xf32, #tpu.memory_space<hbm>>
    tpu.enqueue_indirect_dma source(%dma_start3A_33 : memref<100000x32xf32, #tpu.memory_space<hbm>>) target(%dma_start3A_28 : memref<128x32xf32, #tpu.memory_space<vmem>>) offsets(%dma_start3A_30 : memref<128xi32, #tpu.memory_space<vmem>>) semaphore(%arg12 : memref<!tpu.dma_semaphore, #tpu.memory_space<semaphore_mem>>)
    "tpu.region"() ({
      %run_scoped3A = tpu.sem_alloc : memref<!tpu.dma_semaphore, #tpu.memory_space<semaphore_mem>>
      %dma_start3A_76 = tpu.memref_slice %arg3[%mul3A_2] : memref<16384xi32, #tpu.memory_space<hbm>> -> memref<512xi32, #tpu.memory_space<hbm>>
      %dma_start3A_77 = tpu.memref_slice %arg3[%mul3A_2] : memref<16384xi32, #tpu.memory_space<hbm>> -> memref<512xi32, #tpu.memory_space<hbm>>
      tpu.enqueue_dma source(%dma_start3A_77 : memref<512xi32, #tpu.memory_space<hbm>>) target(%arg8 : memref<512xi32, #tpu.memory_space<vmem>>) target_semaphore(%run_scoped3A : memref<!tpu.dma_semaphore, #tpu.memory_space<semaphore_mem>>)
      %dma_wait3A_78 = tpu.memref_slice %arg3[%mul3A_2] : memref<16384xi32, #tpu.memory_space<hbm>> -> memref<512xi32, #tpu.memory_space<hbm>>
      %dma_wait3A_79 = tpu.memref_slice %arg3[%mul3A_2] : memref<16384xi32, #tpu.memory_space<hbm>> -> memref<512xi32, #tpu.memory_space<hbm>>
      tpu.wait_dma2 semaphore(%run_scoped3A : memref<!tpu.dma_semaphore, #tpu.memory_space<semaphore_mem>>) src(%dma_wait3A_79 : memref<512xi32, #tpu.memory_space<hbm>>) dst(%arg8 : memref<512xi32, #tpu.memory_space<vmem>>)
      tpu.yield
    }) : () -> ()
    "tpu.region"() ({
      %run_scoped3A = tpu.sem_alloc : memref<!tpu.dma_semaphore, #tpu.memory_space<semaphore_mem>>
      tpu.enqueue_dma source(%arg5 : memref<32xf32, #tpu.memory_space<hbm>>) target(%arg9 : memref<32xf32, #tpu.memory_space<vmem>>) target_semaphore(%run_scoped3A : memref<!tpu.dma_semaphore, #tpu.memory_space<semaphore_mem>>)
      tpu.wait_dma2 semaphore(%run_scoped3A : memref<!tpu.dma_semaphore, #tpu.memory_space<semaphore_mem>>) src(%arg5 : memref<32xf32, #tpu.memory_space<hbm>>) dst(%arg9 : memref<32xf32, #tpu.memory_space<vmem>>)
      tpu.yield
    }) : () -> ()
    %get3A = arith.constant 0 : index
    %get3A_34 = tpu.vector_load %arg9[%get3A] {strides = array<i32>} : memref<32xf32, #tpu.memory_space<vmem>>, vector<16xf32>,
    %get3A_35 = arith.constant 16 : index
    %get3A_36 = tpu.vector_load %arg9[%get3A_35] {strides = array<i32>} : memref<32xf32, #tpu.memory_space<vmem>>, vector<16xf32>,
    %dma_wait3A = arith.constant 0 : i32
    %dma_wait3A_37 = arith.constant 0 : i32
    %dma_wait3A_38 = tpu.memref_slice %arg10[%dma_wait3A, %dma_wait3A_37] : memref<512x32xf32, #tpu.memory_space<vmem>> -> memref<128x32xf32, #tpu.memory_space<vmem>>
    %dma_wait3A_39 = arith.constant 0 : i32
    %dma_wait3A_40 = tpu.memref_slice %arg7[%dma_wait3A_39] : memref<512xi32, #tpu.memory_space<vmem>> -> memref<128xi32, #tpu.memory_space<vmem>>
    %dma_wait3A_41 = arith.constant 0 : i32
    %dma_wait3A_42 = arith.constant 0 : i32
    %dma_wait3A_43 = tpu.memref_slice %arg4[%dma_wait3A_41, %dma_wait3A_42] : memref<100000x32xf32, #tpu.memory_space<hbm>> -> memref<100000x32xf32, #tpu.memory_space<hbm>>
    tpu.wait_indirect_dma semaphore(%arg12 : memref<!tpu.dma_semaphore, #tpu.memory_space<semaphore_mem>>) src(%dma_wait3A_43 : memref<100000x32xf32, #tpu.memory_space<hbm>>) dst(%dma_wait3A_38 : memref<128x32xf32, #tpu.memory_space<vmem>>)
    %dma_wait3A_44 = arith.constant 128 : i32
    %dma_wait3A_45 = arith.constant 0 : i32
    %dma_wait3A_46 = tpu.memref_slice %arg10[%dma_wait3A_44, %dma_wait3A_45] : memref<512x32xf32, #tpu.memory_space<vmem>> -> memref<128x32xf32, #tpu.memory_space<vmem>>
    %dma_wait3A_47 = arith.constant 128 : i32
    %dma_wait3A_48 = tpu.memref_slice %arg7[%dma_wait3A_47] : memref<512xi32, #tpu.memory_space<vmem>> -> memref<128xi32, #tpu.memory_space<vmem>>
    %dma_wait3A_49 = arith.constant 0 : i32
    %dma_wait3A_50 = arith.constant 0 : i32
    %dma_wait3A_51 = tpu.memref_slice %arg4[%dma_wait3A_49, %dma_wait3A_50] : memref<100000x32xf32, #tpu.memory_space<hbm>> -> memref<100000x32xf32, #tpu.memory_space<hbm>>
    tpu.wait_indirect_dma semaphore(%arg12 : memref<!tpu.dma_semaphore, #tpu.memory_space<semaphore_mem>>) src(%dma_wait3A_51 : memref<100000x32xf32, #tpu.memory_space<hbm>>) dst(%dma_wait3A_46 : memref<128x32xf32, #tpu.memory_space<vmem>>)
    %dma_wait3A_52 = arith.constant 256 : i32
    %dma_wait3A_53 = arith.constant 0 : i32
    %dma_wait3A_54 = tpu.memref_slice %arg10[%dma_wait3A_52, %dma_wait3A_53] : memref<512x32xf32, #tpu.memory_space<vmem>> -> memref<128x32xf32, #tpu.memory_space<vmem>>
    %dma_wait3A_55 = arith.constant 256 : i32
    %dma_wait3A_56 = tpu.memref_slice %arg7[%dma_wait3A_55] : memref<512xi32, #tpu.memory_space<vmem>> -> memref<128xi32, #tpu.memory_space<vmem>>
    %dma_wait3A_57 = arith.constant 0 : i32
    %dma_wait3A_58 = arith.constant 0 : i32
    %dma_wait3A_59 = tpu.memref_slice %arg4[%dma_wait3A_57, %dma_wait3A_58] : memref<100000x32xf32, #tpu.memory_space<hbm>> -> memref<100000x32xf32, #tpu.memory_space<hbm>>
    tpu.wait_indirect_dma semaphore(%arg12 : memref<!tpu.dma_semaphore, #tpu.memory_space<semaphore_mem>>) src(%dma_wait3A_59 : memref<100000x32xf32, #tpu.memory_space<hbm>>) dst(%dma_wait3A_54 : memref<128x32xf32, #tpu.memory_space<vmem>>)
    %dma_wait3A_60 = arith.constant 384 : i32
    %dma_wait3A_61 = arith.constant 0 : i32
    %dma_wait3A_62 = tpu.memref_slice %arg10[%dma_wait3A_60, %dma_wait3A_61] : memref<512x32xf32, #tpu.memory_space<vmem>> -> memref<128x32xf32, #tpu.memory_space<vmem>>
    %dma_wait3A_63 = arith.constant 384 : i32
    %dma_wait3A_64 = tpu.memref_slice %arg7[%dma_wait3A_63] : memref<512xi32, #tpu.memory_space<vmem>> -> memref<128xi32, #tpu.memory_space<vmem>>
    %dma_wait3A_65 = arith.constant 0 : i32
    %dma_wait3A_66 = arith.constant 0 : i32
    %dma_wait3A_67 = tpu.memref_slice %arg4[%dma_wait3A_65, %dma_wait3A_66] : memref<100000x32xf32, #tpu.memory_space<hbm>> -> memref<100000x32xf32, #tpu.memory_space<hbm>>
    tpu.wait_indirect_dma semaphore(%arg12 : memref<!tpu.dma_semaphore, #tpu.memory_space<semaphore_mem>>) src(%dma_wait3A_67 : memref<100000x32xf32, #tpu.memory_space<hbm>>) dst(%dma_wait3A_62 : memref<128x32xf32, #tpu.memory_space<vmem>>)
    %iota3A = tpu.iota {dimensions = array<i32: 0>} : vector<16xi32>
    %add3A_68 = arith.constant 16 : i32
    %add3A_69 = vector.broadcast %add3A_68 : i32 to vector<16xi32>
    %add3A_70 = arith.addi %iota3A, %add3A_69 : vector<16xi32>
    %scan3A = arith.constant 0 : i32
    %scan3A_71 = arith.constant 0 : i32
    %scan3A_72 = arith.constant 32 : i32
    %scan3A_73 = arith.addi %scan3A_71, %scan3A_72 : i32
    %scan3A_74 = arith.constant 1 : i32
    scf.for %scan3A_76 = %scan3A_71 to %scan3A_73 step %scan3A_74  : i32 {
      %mul3A_77 = arith.constant 16 : i32
      %mul3A_78 = arith.muli %scan3A_76, %mul3A_77 : i32
      %get3A_79 = arith.index_cast %mul3A_78 : i32 to index
      %get3A_80 = tpu.vector_load %arg8[%get3A_79] {strides = array<i32>} : memref<512xi32, #tpu.memory_space<vmem>>, vector<16xi32>,
      %mul3A_81 = arith.constant 16 : i32
      %mul3A_82 = arith.muli %scan3A_76, %mul3A_81 : i32
      %add3A_83 = arith.constant 0 : i32
      %add3A_84 = arith.addi %mul3A_82, %add3A_83 : i32
      %slice3A = vector.extract_strided_slice %get3A_80 {offsets = [0], sizes = [1], strides = [1]} : vector<16xi32> to vector<1xi32>
      %squeeze3A = vector.extract %slice3A[0] : i32 from vector<1xi32>
      %ne3A = arith.constant 0 : i32
      %ne3A_85 = arith.cmpi ne, %squeeze3A, %ne3A : i32
      %broadcast_in_dim3A = vector.broadcast %add3A_84 : i32 to vector<16xi32>
      %get3A_86 = arith.index_cast %add3A_84 : i32 to index
      %get3A_87 = arith.constant 0 : index
      %get3A_88 = tpu.vector_load %arg10[%get3A_86, %get3A_87] {strides = array<i32>} : memref<512x32xf32, #tpu.memory_space<vmem>>, vector<16xf32>,
      %select_n3A = arith.select %ne3A_85, %get3A_88, %get3A_34 : vector<16xf32>
      %get3A_89 = arith.index_cast %add3A_84 : i32 to index
      %get3A_90 = arith.constant 16 : index
      %get3A_91 = tpu.vector_load %arg10[%get3A_89, %get3A_90] {strides = array<i32>} : memref<512x32xf32, #tpu.memory_space<vmem>>, vector<16xf32>,
      %select_n3A_92 = arith.select %ne3A_85, %get3A_91, %get3A_36 : vector<16xf32>
      tpu.vector_store_idx %arg11[%iota3A, %broadcast_in_dim3A], %select_n3A : memref<32x515xf32, #tpu.memory_space<vmem>>[vector<16xi32>, vector<16xi32>], vector<16xf32>,
      tpu.vector_store_idx %arg11[%add3A_70, %broadcast_in_dim3A], %select_n3A_92 : memref<32x515xf32, #tpu.memory_space<vmem>>[vector<16xi32>, vector<16xi32>], vector<16xf32>,
      %mul3A_93 = arith.constant 16 : i32
      %mul3A_94 = arith.muli %scan3A_76, %mul3A_93 : i32
      %add3A_95 = arith.constant 1 : i32
      %add3A_96 = arith.addi %mul3A_94, %add3A_95 : i32
      %slice3A_97 = vector.extract_strided_slice %get3A_80 {offsets = [1], sizes = [1], strides = [1]} : vector<16xi32> to vector<1xi32>
      %squeeze3A_98 = vector.extract %slice3A_97[0] : i32 from vector<1xi32>
      %ne3A_99 = arith.constant 0 : i32
      %ne3A_100 = arith.cmpi ne, %squeeze3A_98, %ne3A_99 : i32
      %broadcast_in_dim3A_101 = vector.broadcast %add3A_96 : i32 to vector<16xi32>
      %get3A_102 = arith.index_cast %add3A_96 : i32 to index
      %get3A_103 = arith.constant 0 : index
      %get3A_104 = tpu.vector_load %arg10[%get3A_102, %get3A_103] {strides = array<i32>} : memref<512x32xf32, #tpu.memory_space<vmem>>, vector<16xf32>,
      %select_n3A_105 = arith.select %ne3A_100, %get3A_104, %get3A_34 : vector<16xf32>
      %get3A_106 = arith.index_cast %add3A_96 : i32 to index
      %get3A_107 = arith.constant 16 : index
      %get3A_108 = tpu.vector_load %arg10[%get3A_106, %get3A_107] {strides = array<i32>} : memref<512x32xf32, #tpu.memory_space<vmem>>, vector<16xf32>,
      %select_n3A_109 = arith.select %ne3A_100, %get3A_108, %get3A_36 : vector<16xf32>
      tpu.vector_store_idx %arg11[%iota3A, %broadcast_in_dim3A_101], %select_n3A_105 : memref<32x515xf32, #tpu.memory_space<vmem>>[vector<16xi32>, vector<16xi32>], vector<16xf32>,
      tpu.vector_store_idx %arg11[%add3A_70, %broadcast_in_dim3A_101], %select_n3A_109 : memref<32x515xf32, #tpu.memory_space<vmem>>[vector<16xi32>, vector<16xi32>], vector<16xf32>,
      %mul3A_110 = arith.constant 16 : i32
      %mul3A_111 = arith.muli %scan3A_76, %mul3A_110 : i32
      %add3A_112 = arith.constant 2 : i32
      %add3A_113 = arith.addi %mul3A_111, %add3A_112 : i32
      %slice3A_114 = vector.extract_strided_slice %get3A_80 {offsets = [2], sizes = [1], strides = [1]} : vector<16xi32> to vector<1xi32>
      %squeeze3A_115 = vector.extract %slice3A_114[0] : i32 from vector<1xi32>
      %ne3A_116 = arith.constant 0 : i32
      %ne3A_117 = arith.cmpi ne, %squeeze3A_115, %ne3A_116 : i32
      %broadcast_in_dim3A_118 = vector.broadcast %add3A_113 : i32 to vector<16xi32>
      %get3A_119 = arith.index_cast %add3A_113 : i32 to index
      %get3A_120 = arith.constant 0 : index
      %get3A_121 = tpu.vector_load %arg10[%get3A_119, %get3A_120] {strides = array<i32>} : memref<512x32xf32, #tpu.memory_space<vmem>>, vector<16xf32>,
      %select_n3A_122 = arith.select %ne3A_117, %get3A_121, %get3A_34 : vector<16xf32>
      %get3A_123 = arith.index_cast %add3A_113 : i32 to index
      %get3A_124 = arith.constant 16 : index
      %get3A_125 = tpu.vector_load %arg10[%get3A_123, %get3A_124] {strides = array<i32>} : memref<512x32xf32, #tpu.memory_space<vmem>>, vector<16xf32>,
      %select_n3A_126 = arith.select %ne3A_117, %get3A_125, %get3A_36 : vector<16xf32>
      tpu.vector_store_idx %arg11[%iota3A, %broadcast_in_dim3A_118], %select_n3A_122 : memref<32x515xf32, #tpu.memory_space<vmem>>[vector<16xi32>, vector<16xi32>], vector<16xf32>,
      tpu.vector_store_idx %arg11[%add3A_70, %broadcast_in_dim3A_118], %select_n3A_126 : memref<32x515xf32, #tpu.memory_space<vmem>>[vector<16xi32>, vector<16xi32>], vector<16xf32>,
      %mul3A_127 = arith.constant 16 : i32
      %mul3A_128 = arith.muli %scan3A_76, %mul3A_127 : i32
      %add3A_129 = arith.constant 3 : i32
      %add3A_130 = arith.addi %mul3A_128, %add3A_129 : i32
      %slice3A_131 = vector.extract_strided_slice %get3A_80 {offsets = [3], sizes = [1], strides = [1]} : vector<16xi32> to vector<1xi32>
      %squeeze3A_132 = vector.extract %slice3A_131[0] : i32 from vector<1xi32>
      %ne3A_133 = arith.constant 0 : i32
      %ne3A_134 = arith.cmpi ne, %squeeze3A_132, %ne3A_133 : i32
      %broadcast_in_dim3A_135 = vector.broadcast %add3A_130 : i32 to vector<16xi32>
      %get3A_136 = arith.index_cast %add3A_130 : i32 to index
      %get3A_137 = arith.constant 0 : index
      %get3A_138 = tpu.vector_load %arg10[%get3A_136, %get3A_137] {strides = array<i32>} : memref<512x32xf32, #tpu.memory_space<vmem>>, vector<16xf32>,
      %select_n3A_139 = arith.select %ne3A_134, %get3A_138, %get3A_34 : vector<16xf32>
      %get3A_140 = arith.index_cast %add3A_130 : i32 to index
      %get3A_141 = arith.constant 16 : index
      %get3A_142 = tpu.vector_load %arg10[%get3A_140, %get3A_141] {strides = array<i32>} : memref<512x32xf32, #tpu.memory_space<vmem>>, vector<16xf32>,
      %select_n3A_143 = arith.select %ne3A_134, %get3A_142, %get3A_36 : vector<16xf32>
      tpu.vector_store_idx %arg11[%iota3A, %broadcast_in_dim3A_135], %select_n3A_139 : memref<32x515xf32, #tpu.memory_space<vmem>>[vector<16xi32>, vector<16xi32>], vector<16xf32>,
      tpu.vector_store_idx %arg11[%add3A_70, %broadcast_in_dim3A_135], %select_n3A_143 : memref<32x515xf32, #tpu.memory_space<vmem>>[vector<16xi32>, vector<16xi32>], vector<16xf32>,
      %mul3A_144 = arith.constant 16 : i32
      %mul3A_145 = arith.muli %scan3A_76, %mul3A_144 : i32
      %add3A_146 = arith.constant 4 : i32
      %add3A_147 = arith.addi %mul3A_145, %add3A_146 : i32
      %slice3A_148 = vector.extract_strided_slice %get3A_80 {offsets = [4], sizes = [1], strides = [1]} : vector<16xi32> to vector<1xi32>
      %squeeze3A_149 = vector.extract %slice3A_148[0] : i32 from vector<1xi32>
      %ne3A_150 = arith.constant 0 : i32
      %ne3A_151 = arith.cmpi ne, %squeeze3A_149, %ne3A_150 : i32
      %broadcast_in_dim3A_152 = vector.broadcast %add3A_147 : i32 to vector<16xi32>
      %get3A_153 = arith.index_cast %add3A_147 : i32 to index
      %get3A_154 = arith.constant 0 : index
      %get3A_155 = tpu.vector_load %arg10[%get3A_153, %get3A_154] {strides = array<i32>} : memref<512x32xf32, #tpu.memory_space<vmem>>, vector<16xf32>,
      %select_n3A_156 = arith.select %ne3A_151, %get3A_155, %get3A_34 : vector<16xf32>
      %get3A_157 = arith.index_cast %add3A_147 : i32 to index
      %get3A_158 = arith.constant 16 : index
      %get3A_159 = tpu.vector_load %arg10[%get3A_157, %get3A_158] {strides = array<i32>} : memref<512x32xf32, #tpu.memory_space<vmem>>, vector<16xf32>,
      %select_n3A_160 = arith.select %ne3A_151, %get3A_159, %get3A_36 : vector<16xf32>
      tpu.vector_store_idx %arg11[%iota3A, %broadcast_in_dim3A_152], %select_n3A_156 : memref<32x515xf32, #tpu.memory_space<vmem>>[vector<16xi32>, vector<16xi32>], vector<16xf32>,
      tpu.vector_store_idx %arg11[%add3A_70, %broadcast_in_dim3A_152], %select_n3A_160 : memref<32x515xf32, #tpu.memory_space<vmem>>[vector<16xi32>, vector<16xi32>], vector<16xf32>,
      %mul3A_161 = arith.constant 16 : i32
      %mul3A_162 = arith.muli %scan3A_76, %mul3A_161 : i32
      %add3A_163 = arith.constant 5 : i32
      %add3A_164 = arith.addi %mul3A_162, %add3A_163 : i32
      %slice3A_165 = vector.extract_strided_slice %get3A_80 {offsets = [5], sizes = [1], strides = [1]} : vector<16xi32> to vector<1xi32>
      %squeeze3A_166 = vector.extract %slice3A_165[0] : i32 from vector<1xi32>
      %ne3A_167 = arith.constant 0 : i32
      %ne3A_168 = arith.cmpi ne, %squeeze3A_166, %ne3A_167 : i32
      %broadcast_in_dim3A_169 = vector.broadcast %add3A_164 : i32 to vector<16xi32>
      %get3A_170 = arith.index_cast %add3A_164 : i32 to index
      %get3A_171 = arith.constant 0 : index
      %get3A_172 = tpu.vector_load %arg10[%get3A_170, %get3A_171] {strides = array<i32>} : memref<512x32xf32, #tpu.memory_space<vmem>>, vector<16xf32>,
      %select_n3A_173 = arith.select %ne3A_168, %get3A_172, %get3A_34 : vector<16xf32>
      %get3A_174 = arith.index_cast %add3A_164 : i32 to index
      %get3A_175 = arith.constant 16 : index
      %get3A_176 = tpu.vector_load %arg10[%get3A_174, %get3A_175] {strides = array<i32>} : memref<512x32xf32, #tpu.memory_space<vmem>>, vector<16xf32>,
      %select_n3A_177 = arith.select %ne3A_168, %get3A_176, %get3A_36 : vector<16xf32>
      tpu.vector_store_idx %arg11[%iota3A, %broadcast_in_dim3A_169], %select_n3A_173 : memref<32x515xf32, #tpu.memory_space<vmem>>[vector<16xi32>, vector<16xi32>], vector<16xf32>,
      tpu.vector_store_idx %arg11[%add3A_70, %broadcast_in_dim3A_169], %select_n3A_177 : memref<32x515xf32, #tpu.memory_space<vmem>>[vector<16xi32>, vector<16xi32>], vector<16xf32>,
      %mul3A_178 = arith.constant 16 : i32
      %mul3A_179 = arith.muli %scan3A_76, %mul3A_178 : i32
      %add3A_180 = arith.constant 6 : i32
      %add3A_181 = arith.addi %mul3A_179, %add3A_180 : i32
      %slice3A_182 = vector.extract_strided_slice %get3A_80 {offsets = [6], sizes = [1], strides = [1]} : vector<16xi32> to vector<1xi32>
      %squeeze3A_183 = vector.extract %slice3A_182[0] : i32 from vector<1xi32>
      %ne3A_184 = arith.constant 0 : i32
      %ne3A_185 = arith.cmpi ne, %squeeze3A_183, %ne3A_184 : i32
      %broadcast_in_dim3A_186 = vector.broadcast %add3A_181 : i32 to vector<16xi32>
      %get3A_187 = arith.index_cast %add3A_181 : i32 to index
      %get3A_188 = arith.constant 0 : index
      %get3A_189 = tpu.vector_load %arg10[%get3A_187, %get3A_188] {strides = array<i32>} : memref<512x32xf32, #tpu.memory_space<vmem>>, vector<16xf32>,
      %select_n3A_190 = arith.select %ne3A_185, %get3A_189, %get3A_34 : vector<16xf32>
      %get3A_191 = arith.index_cast %add3A_181 : i32 to index
      %get3A_192 = arith.constant 16 : index
      %get3A_193 = tpu.vector_load %arg10[%get3A_191, %get3A_192] {strides = array<i32>} : memref<512x32xf32, #tpu.memory_space<vmem>>, vector<16xf32>,
      %select_n3A_194 = arith.select %ne3A_185, %get3A_193, %get3A_36 : vector<16xf32>
      tpu.vector_store_idx %arg11[%iota3A, %broadcast_in_dim3A_186], %select_n3A_190 : memref<32x515xf32, #tpu.memory_space<vmem>>[vector<16xi32>, vector<16xi32>], vector<16xf32>,
      tpu.vector_store_idx %arg11[%add3A_70, %broadcast_in_dim3A_186], %select_n3A_194 : memref<32x515xf32, #tpu.memory_space<vmem>>[vector<16xi32>, vector<16xi32>], vector<16xf32>,
      %mul3A_195 = arith.constant 16 : i32
      %mul3A_196 = arith.muli %scan3A_76, %mul3A_195 : i32
      %add3A_197 = arith.constant 7 : i32
      %add3A_198 = arith.addi %mul3A_196, %add3A_197 : i32
      %slice3A_199 = vector.extract_strided_slice %get3A_80 {offsets = [7], sizes = [1], strides = [1]} : vector<16xi32> to vector<1xi32>
      %squeeze3A_200 = vector.extract %slice3A_199[0] : i32 from vector<1xi32>
      %ne3A_201 = arith.constant 0 : i32
      %ne3A_202 = arith.cmpi ne, %squeeze3A_200, %ne3A_201 : i32
      %broadcast_in_dim3A_203 = vector.broadcast %add3A_198 : i32 to vector<16xi32>
      %get3A_204 = arith.index_cast %add3A_198 : i32 to index
      %get3A_205 = arith.constant 0 : index
      %get3A_206 = tpu.vector_load %arg10[%get3A_204, %get3A_205] {strides = array<i32>} : memref<512x32xf32, #tpu.memory_space<vmem>>, vector<16xf32>,
      %select_n3A_207 = arith.select %ne3A_202, %get3A_206, %get3A_34 : vector<16xf32>
      %get3A_208 = arith.index_cast %add3A_198 : i32 to index
      %get3A_209 = arith.constant 16 : index
      %get3A_210 = tpu.vector_load %arg10[%get3A_208, %get3A_209] {strides = array<i32>} : memref<512x32xf32, #tpu.memory_space<vmem>>, vector<16xf32>,
      %select_n3A_211 = arith.select %ne3A_202, %get3A_210, %get3A_36 : vector<16xf32>
      tpu.vector_store_idx %arg11[%iota3A, %broadcast_in_dim3A_203], %select_n3A_207 : memref<32x515xf32, #tpu.memory_space<vmem>>[vector<16xi32>, vector<16xi32>], vector<16xf32>,
      tpu.vector_store_idx %arg11[%add3A_70, %broadcast_in_dim3A_203], %select_n3A_211 : memref<32x515xf32, #tpu.memory_space<vmem>>[vector<16xi32>, vector<16xi32>], vector<16xf32>,
      %mul3A_212 = arith.constant 16 : i32
      %mul3A_213 = arith.muli %scan3A_76, %mul3A_212 : i32
      %add3A_214 = arith.constant 8 : i32
      %add3A_215 = arith.addi %mul3A_213, %add3A_214 : i32
      %slice3A_216 = vector.extract_strided_slice %get3A_80 {offsets = [8], sizes = [1], strides = [1]} : vector<16xi32> to vector<1xi32>
      %squeeze3A_217 = vector.extract %slice3A_216[0] : i32 from vector<1xi32>
      %ne3A_218 = arith.constant 0 : i32
      %ne3A_219 = arith.cmpi ne, %squeeze3A_217, %ne3A_218 : i32
      %broadcast_in_dim3A_220 = vector.broadcast %add3A_215 : i32 to vector<16xi32>
      %get3A_221 = arith.index_cast %add3A_215 : i32 to index
      %get3A_222 = arith.constant 0 : index
      %get3A_223 = tpu.vector_load %arg10[%get3A_221, %get3A_222] {strides = array<i32>} : memref<512x32xf32, #tpu.memory_space<vmem>>, vector<16xf32>,
      %select_n3A_224 = arith.select %ne3A_219, %get3A_223, %get3A_34 : vector<16xf32>
      %get3A_225 = arith.index_cast %add3A_215 : i32 to index
      %get3A_226 = arith.constant 16 : index
      %get3A_227 = tpu.vector_load %arg10[%get3A_225, %get3A_226] {strides = array<i32>} : memref<512x32xf32, #tpu.memory_space<vmem>>, vector<16xf32>,
      %select_n3A_228 = arith.select %ne3A_219, %get3A_227, %get3A_36 : vector<16xf32>
      tpu.vector_store_idx %arg11[%iota3A, %broadcast_in_dim3A_220], %select_n3A_224 : memref<32x515xf32, #tpu.memory_space<vmem>>[vector<16xi32>, vector<16xi32>], vector<16xf32>,
      tpu.vector_store_idx %arg11[%add3A_70, %broadcast_in_dim3A_220], %select_n3A_228 : memref<32x515xf32, #tpu.memory_space<vmem>>[vector<16xi32>, vector<16xi32>], vector<16xf32>,
      %mul3A_229 = arith.constant 16 : i32
      %mul3A_230 = arith.muli %scan3A_76, %mul3A_229 : i32
      %add3A_231 = arith.constant 9 : i32
      %add3A_232 = arith.addi %mul3A_230, %add3A_231 : i32
      %slice3A_233 = vector.extract_strided_slice %get3A_80 {offsets = [9], sizes = [1], strides = [1]} : vector<16xi32> to vector<1xi32>
      %squeeze3A_234 = vector.extract %slice3A_233[0] : i32 from vector<1xi32>
      %ne3A_235 = arith.constant 0 : i32
      %ne3A_236 = arith.cmpi ne, %squeeze3A_234, %ne3A_235 : i32
      %broadcast_in_dim3A_237 = vector.broadcast %add3A_232 : i32 to vector<16xi32>
      %get3A_238 = arith.index_cast %add3A_232 : i32 to index
      %get3A_239 = arith.constant 0 : index
      %get3A_240 = tpu.vector_load %arg10[%get3A_238, %get3A_239] {strides = array<i32>} : memref<512x32xf32, #tpu.memory_space<vmem>>, vector<16xf32>,
      %select_n3A_241 = arith.select %ne3A_236, %get3A_240, %get3A_34 : vector<16xf32>
      %get3A_242 = arith.index_cast %add3A_232 : i32 to index
      %get3A_243 = arith.constant 16 : index
      %get3A_244 = tpu.vector_load %arg10[%get3A_242, %get3A_243] {strides = array<i32>} : memref<512x32xf32, #tpu.memory_space<vmem>>, vector<16xf32>,
      %select_n3A_245 = arith.select %ne3A_236, %get3A_244, %get3A_36 : vector<16xf32>
      tpu.vector_store_idx %arg11[%iota3A, %broadcast_in_dim3A_237], %select_n3A_241 : memref<32x515xf32, #tpu.memory_space<vmem>>[vector<16xi32>, vector<16xi32>], vector<16xf32>,
      tpu.vector_store_idx %arg11[%add3A_70, %broadcast_in_dim3A_237], %select_n3A_245 : memref<32x515xf32, #tpu.memory_space<vmem>>[vector<16xi32>, vector<16xi32>], vector<16xf32>,
      %mul3A_246 = arith.constant 16 : i32
      %mul3A_247 = arith.muli %scan3A_76, %mul3A_246 : i32
      %add3A_248 = arith.constant 10 : i32
      %add3A_249 = arith.addi %mul3A_247, %add3A_248 : i32
      %slice3A_250 = vector.extract_strided_slice %get3A_80 {offsets = [10], sizes = [1], strides = [1]} : vector<16xi32> to vector<1xi32>
      %squeeze3A_251 = vector.extract %slice3A_250[0] : i32 from vector<1xi32>
      %ne3A_252 = arith.constant 0 : i32
      %ne3A_253 = arith.cmpi ne, %squeeze3A_251, %ne3A_252 : i32
      %broadcast_in_dim3A_254 = vector.broadcast %add3A_249 : i32 to vector<16xi32>
      %get3A_255 = arith.index_cast %add3A_249 : i32 to index
      %get3A_256 = arith.constant 0 : index
      %get3A_257 = tpu.vector_load %arg10[%get3A_255, %get3A_256] {strides = array<i32>} : memref<512x32xf32, #tpu.memory_space<vmem>>, vector<16xf32>,
      %select_n3A_258 = arith.select %ne3A_253, %get3A_257, %get3A_34 : vector<16xf32>
      %get3A_259 = arith.index_cast %add3A_249 : i32 to index
      %get3A_260 = arith.constant 16 : index
      %get3A_261 = tpu.vector_load %arg10[%get3A_259, %get3A_260] {strides = array<i32>} : memref<512x32xf32, #tpu.memory_space<vmem>>, vector<16xf32>,
      %select_n3A_262 = arith.select %ne3A_253, %get3A_261, %get3A_36 : vector<16xf32>
      tpu.vector_store_idx %arg11[%iota3A, %broadcast_in_dim3A_254], %select_n3A_258 : memref<32x515xf32, #tpu.memory_space<vmem>>[vector<16xi32>, vector<16xi32>], vector<16xf32>,
      tpu.vector_store_idx %arg11[%add3A_70, %broadcast_in_dim3A_254], %select_n3A_262 : memref<32x515xf32, #tpu.memory_space<vmem>>[vector<16xi32>, vector<16xi32>], vector<16xf32>,
      %mul3A_263 = arith.constant 16 : i32
      %mul3A_264 = arith.muli %scan3A_76, %mul3A_263 : i32
      %add3A_265 = arith.constant 11 : i32
      %add3A_266 = arith.addi %mul3A_264, %add3A_265 : i32
      %slice3A_267 = vector.extract_strided_slice %get3A_80 {offsets = [11], sizes = [1], strides = [1]} : vector<16xi32> to vector<1xi32>
      %squeeze3A_268 = vector.extract %slice3A_267[0] : i32 from vector<1xi32>
      %ne3A_269 = arith.constant 0 : i32
      %ne3A_270 = arith.cmpi ne, %squeeze3A_268, %ne3A_269 : i32
      %broadcast_in_dim3A_271 = vector.broadcast %add3A_266 : i32 to vector<16xi32>
      %get3A_272 = arith.index_cast %add3A_266 : i32 to index
      %get3A_273 = arith.constant 0 : index
      %get3A_274 = tpu.vector_load %arg10[%get3A_272, %get3A_273] {strides = array<i32>} : memref<512x32xf32, #tpu.memory_space<vmem>>, vector<16xf32>,
      %select_n3A_275 = arith.select %ne3A_270, %get3A_274, %get3A_34 : vector<16xf32>
      %get3A_276 = arith.index_cast %add3A_266 : i32 to index
      %get3A_277 = arith.constant 16 : index
      %get3A_278 = tpu.vector_load %arg10[%get3A_276, %get3A_277] {strides = array<i32>} : memref<512x32xf32, #tpu.memory_space<vmem>>, vector<16xf32>,
      %select_n3A_279 = arith.select %ne3A_270, %get3A_278, %get3A_36 : vector<16xf32>
      tpu.vector_store_idx %arg11[%iota3A, %broadcast_in_dim3A_271], %select_n3A_275 : memref<32x515xf32, #tpu.memory_space<vmem>>[vector<16xi32>, vector<16xi32>], vector<16xf32>,
      tpu.vector_store_idx %arg11[%add3A_70, %broadcast_in_dim3A_271], %select_n3A_279 : memref<32x515xf32, #tpu.memory_space<vmem>>[vector<16xi32>, vector<16xi32>], vector<16xf32>,
      %mul3A_280 = arith.constant 16 : i32
      %mul3A_281 = arith.muli %scan3A_76, %mul3A_280 : i32
      %add3A_282 = arith.constant 12 : i32
      %add3A_283 = arith.addi %mul3A_281, %add3A_282 : i32
      %slice3A_284 = vector.extract_strided_slice %get3A_80 {offsets = [12], sizes = [1], strides = [1]} : vector<16xi32> to vector<1xi32>
      %squeeze3A_285 = vector.extract %slice3A_284[0] : i32 from vector<1xi32>
      %ne3A_286 = arith.constant 0 : i32
      %ne3A_287 = arith.cmpi ne, %squeeze3A_285, %ne3A_286 : i32
      %broadcast_in_dim3A_288 = vector.broadcast %add3A_283 : i32 to vector<16xi32>
      %get3A_289 = arith.index_cast %add3A_283 : i32 to index
      %get3A_290 = arith.constant 0 : index
      %get3A_291 = tpu.vector_load %arg10[%get3A_289, %get3A_290] {strides = array<i32>} : memref<512x32xf32, #tpu.memory_space<vmem>>, vector<16xf32>,
      %select_n3A_292 = arith.select %ne3A_287, %get3A_291, %get3A_34 : vector<16xf32>
      %get3A_293 = arith.index_cast %add3A_283 : i32 to index
      %get3A_294 = arith.constant 16 : index
      %get3A_295 = tpu.vector_load %arg10[%get3A_293, %get3A_294] {strides = array<i32>} : memref<512x32xf32, #tpu.memory_space<vmem>>, vector<16xf32>,
      %select_n3A_296 = arith.select %ne3A_287, %get3A_295, %get3A_36 : vector<16xf32>
      tpu.vector_store_idx %arg11[%iota3A, %broadcast_in_dim3A_288], %select_n3A_292 : memref<32x515xf32, #tpu.memory_space<vmem>>[vector<16xi32>, vector<16xi32>], vector<16xf32>,
      tpu.vector_store_idx %arg11[%add3A_70, %broadcast_in_dim3A_288], %select_n3A_296 : memref<32x515xf32, #tpu.memory_space<vmem>>[vector<16xi32>, vector<16xi32>], vector<16xf32>,
      %mul3A_297 = arith.constant 16 : i32
      %mul3A_298 = arith.muli %scan3A_76, %mul3A_297 : i32
      %add3A_299 = arith.constant 13 : i32
      %add3A_300 = arith.addi %mul3A_298, %add3A_299 : i32
      %slice3A_301 = vector.extract_strided_slice %get3A_80 {offsets = [13], sizes = [1], strides = [1]} : vector<16xi32> to vector<1xi32>
      %squeeze3A_302 = vector.extract %slice3A_301[0] : i32 from vector<1xi32>
      %ne3A_303 = arith.constant 0 : i32
      %ne3A_304 = arith.cmpi ne, %squeeze3A_302, %ne3A_303 : i32
      %broadcast_in_dim3A_305 = vector.broadcast %add3A_300 : i32 to vector<16xi32>
      %get3A_306 = arith.index_cast %add3A_300 : i32 to index
      %get3A_307 = arith.constant 0 : index
      %get3A_308 = tpu.vector_load %arg10[%get3A_306, %get3A_307] {strides = array<i32>} : memref<512x32xf32, #tpu.memory_space<vmem>>, vector<16xf32>,
      %select_n3A_309 = arith.select %ne3A_304, %get3A_308, %get3A_34 : vector<16xf32>
      %get3A_310 = arith.index_cast %add3A_300 : i32 to index
      %get3A_311 = arith.constant 16 : index
      %get3A_312 = tpu.vector_load %arg10[%get3A_310, %get3A_311] {strides = array<i32>} : memref<512x32xf32, #tpu.memory_space<vmem>>, vector<16xf32>,
      %select_n3A_313 = arith.select %ne3A_304, %get3A_312, %get3A_36 : vector<16xf32>
      tpu.vector_store_idx %arg11[%iota3A, %broadcast_in_dim3A_305], %select_n3A_309 : memref<32x515xf32, #tpu.memory_space<vmem>>[vector<16xi32>, vector<16xi32>], vector<16xf32>,
      tpu.vector_store_idx %arg11[%add3A_70, %broadcast_in_dim3A_305], %select_n3A_313 : memref<32x515xf32, #tpu.memory_space<vmem>>[vector<16xi32>, vector<16xi32>], vector<16xf32>,
      %mul3A_314 = arith.constant 16 : i32
      %mul3A_315 = arith.muli %scan3A_76, %mul3A_314 : i32
      %add3A_316 = arith.constant 14 : i32
      %add3A_317 = arith.addi %mul3A_315, %add3A_316 : i32
      %slice3A_318 = vector.extract_strided_slice %get3A_80 {offsets = [14], sizes = [1], strides = [1]} : vector<16xi32> to vector<1xi32>
      %squeeze3A_319 = vector.extract %slice3A_318[0] : i32 from vector<1xi32>
      %ne3A_320 = arith.constant 0 : i32
      %ne3A_321 = arith.cmpi ne, %squeeze3A_319, %ne3A_320 : i32
      %broadcast_in_dim3A_322 = vector.broadcast %add3A_317 : i32 to vector<16xi32>
      %get3A_323 = arith.index_cast %add3A_317 : i32 to index
      %get3A_324 = arith.constant 0 : index
      %get3A_325 = tpu.vector_load %arg10[%get3A_323, %get3A_324] {strides = array<i32>} : memref<512x32xf32, #tpu.memory_space<vmem>>, vector<16xf32>,
      %select_n3A_326 = arith.select %ne3A_321, %get3A_325, %get3A_34 : vector<16xf32>
      %get3A_327 = arith.index_cast %add3A_317 : i32 to index
      %get3A_328 = arith.constant 16 : index
      %get3A_329 = tpu.vector_load %arg10[%get3A_327, %get3A_328] {strides = array<i32>} : memref<512x32xf32, #tpu.memory_space<vmem>>, vector<16xf32>,
      %select_n3A_330 = arith.select %ne3A_321, %get3A_329, %get3A_36 : vector<16xf32>
      tpu.vector_store_idx %arg11[%iota3A, %broadcast_in_dim3A_322], %select_n3A_326 : memref<32x515xf32, #tpu.memory_space<vmem>>[vector<16xi32>, vector<16xi32>], vector<16xf32>,
      tpu.vector_store_idx %arg11[%add3A_70, %broadcast_in_dim3A_322], %select_n3A_330 : memref<32x515xf32, #tpu.memory_space<vmem>>[vector<16xi32>, vector<16xi32>], vector<16xf32>,
      %mul3A_331 = arith.constant 16 : i32
      %mul3A_332 = arith.muli %scan3A_76, %mul3A_331 : i32
      %add3A_333 = arith.constant 15 : i32
      %add3A_334 = arith.addi %mul3A_332, %add3A_333 : i32
      %slice3A_335 = vector.extract_strided_slice %get3A_80 {offsets = [15], sizes = [1], strides = [1]} : vector<16xi32> to vector<1xi32>
      %squeeze3A_336 = vector.extract %slice3A_335[0] : i32 from vector<1xi32>
      %ne3A_337 = arith.constant 0 : i32
      %ne3A_338 = arith.cmpi ne, %squeeze3A_336, %ne3A_337 : i32
      %broadcast_in_dim3A_339 = vector.broadcast %add3A_334 : i32 to vector<16xi32>
      %get3A_340 = arith.index_cast %add3A_334 : i32 to index
      %get3A_341 = arith.constant 0 : index
      %get3A_342 = tpu.vector_load %arg10[%get3A_340, %get3A_341] {strides = array<i32>} : memref<512x32xf32, #tpu.memory_space<vmem>>, vector<16xf32>,
      %select_n3A_343 = arith.select %ne3A_338, %get3A_342, %get3A_34 : vector<16xf32>
      %get3A_344 = arith.index_cast %add3A_334 : i32 to index
      %get3A_345 = arith.constant 16 : index
      %get3A_346 = tpu.vector_load %arg10[%get3A_344, %get3A_345] {strides = array<i32>} : memref<512x32xf32, #tpu.memory_space<vmem>>, vector<16xf32>,
      %select_n3A_347 = arith.select %ne3A_338, %get3A_346, %get3A_36 : vector<16xf32>
      tpu.vector_store_idx %arg11[%iota3A, %broadcast_in_dim3A_339], %select_n3A_343 : memref<32x515xf32, #tpu.memory_space<vmem>>[vector<16xi32>, vector<16xi32>], vector<16xf32>,
      tpu.vector_store_idx %arg11[%add3A_70, %broadcast_in_dim3A_339], %select_n3A_347 : memref<32x515xf32, #tpu.memory_space<vmem>>[vector<16xi32>, vector<16xi32>], vector<16xf32>,
    }
    %scan3A_75 = arith.constant 32 : i32
    "tpu.region"() ({
      %run_scoped3A = tpu.sem_alloc : memref<!tpu.dma_semaphore, #tpu.memory_space<semaphore_mem>>
      %dma_start3A_76 = arith.constant 0 : i32
      %dma_start3A_77 = arith.constant 0 : i32
      %dma_start3A_78 = tpu.memref_slice %arg11[%dma_start3A_76, %dma_start3A_77] : memref<32x515xf32, #tpu.memory_space<vmem>> -> memref<32x512xf32, #tpu.memory_space<vmem>>
      %dma_start3A_79 = arith.constant 0 : i32
      %dma_start3A_80 = tpu.memref_slice %arg6[%dma_start3A_79, %mul3A_2] : memref<32x16384xf32, #tpu.memory_space<hbm>> -> memref<32x512xf32, #tpu.memory_space<hbm>>
      %dma_start3A_81 = arith.constant 0 : i32
      %dma_start3A_82 = tpu.memref_slice %arg6[%dma_start3A_81, %mul3A_2] : memref<32x16384xf32, #tpu.memory_space<hbm>> -> memref<32x512xf32, #tpu.memory_space<hbm>>
      %dma_start3A_83 = arith.constant 0 : i32
      %dma_start3A_84 = arith.constant 0 : i32
      %dma_start3A_85 = tpu.memref_slice %arg11[%dma_start3A_83, %dma_start3A_84] : memref<32x515xf32, #tpu.memory_space<vmem>> -> memref<32x512xf32, #tpu.memory_space<vmem>>
      tpu.enqueue_dma source(%dma_start3A_85 : memref<32x512xf32, #tpu.memory_space<vmem>>) target(%dma_start3A_82 : memref<32x512xf32, #tpu.memory_space<hbm>>) target_semaphore(%run_scoped3A : memref<!tpu.dma_semaphore, #tpu.memory_space<semaphore_mem>>)
      %dma_wait3A_86 = arith.constant 0 : i32
      %dma_wait3A_87 = arith.constant 0 : i32
      %dma_wait3A_88 = tpu.memref_slice %arg11[%dma_wait3A_86, %dma_wait3A_87] : memref<32x515xf32, #tpu.memory_space<vmem>> -> memref<32x512xf32, #tpu.memory_space<vmem>>
      %dma_wait3A_89 = arith.constant 0 : i32
      %dma_wait3A_90 = tpu.memref_slice %arg6[%dma_wait3A_89, %mul3A_2] : memref<32x16384xf32, #tpu.memory_space<hbm>> -> memref<32x512xf32, #tpu.memory_space<hbm>>
      %dma_wait3A_91 = arith.constant 0 : i32
      %dma_wait3A_92 = tpu.memref_slice %arg6[%dma_wait3A_91, %mul3A_2] : memref<32x16384xf32, #tpu.memory_space<hbm>> -> memref<32x512xf32, #tpu.memory_space<hbm>>
      %dma_wait3A_93 = arith.constant 0 : i32
      %dma_wait3A_94 = arith.constant 0 : i32
      %dma_wait3A_95 = tpu.memref_slice %arg11[%dma_wait3A_93, %dma_wait3A_94] : memref<32x515xf32, #tpu.memory_space<vmem>> -> memref<32x512xf32, #tpu.memory_space<vmem>>
      tpu.wait_dma2 semaphore(%run_scoped3A : memref<!tpu.dma_semaphore, #tpu.memory_space<semaphore_mem>>) src(%dma_wait3A_95 : memref<32x512xf32, #tpu.memory_space<vmem>>) dst(%dma_wait3A_92 : memref<32x512xf32, #tpu.memory_space<hbm>>)
      tpu.yield
    }) : () -> ()
    return
  }
}

#map = affine_map<(d0, d1) -> (0)>
#map1 = affine_map<(d0, d1) -> (0, 0)>
module attributes {stable_mosaic.version = 14 : i64} {
  func.func @_body(%arg0: i32, %arg1: i32, %arg2: memref<16384xi32, #tpu.memory_space<hbm>>, %arg3: memref<16384xi32, #tpu.memory_space<hbm>>, %arg4: memref<100000x32xf32, #tpu.memory_space<hbm>>, %arg5: memref<32xf32, #tpu.memory_space<hbm>>, %arg6: memref<32x16384xf32, #tpu.memory_space<hbm>>, %arg7: memref<512xi32, #tpu.memory_space<vmem>>, %arg8: memref<512xi32, #tpu.memory_space<vmem>>, %arg9: memref<32xf32, #tpu.memory_space<vmem>>, %arg10: memref<512x32xf32, #tpu.memory_space<vmem>>, %arg11: memref<32x515xf32, #tpu.memory_space<vmem>>, %arg12: memref<!tpu.dma_semaphore, #tpu.memory_space<semaphore_mem>>) attributes {dimension_semantics = [#tpu.dimension_semantics<core_parallel>, #tpu.dimension_semantics<subcore_parallel>], iteration_bounds = array<i64: 2, 16>, scalar_prefetch = 0 : i64, scratch_operands = 6 : i64, tpu.core_type = #tpu.core_type<sc_vector_subcore>, window_params = [{transform_indices = #map}, {transform_indices = #map}, {transform_indices = #map1}, {transform_indices = #map}, {transform_indices = #map1}]} {
    %mul3A = arith.constant 2 : i32
    %mul3A_0 = arith.muli %arg1, %mul3A : i32
    %add3A = arith.addi %mul3A_0, %arg0 : i32
    %mul3A_1 = arith.constant 512 : i32
    %mul3A_2 = arith.muli %add3A, %mul3A_1 : i32
    "tpu.region"() ({
      %run_scoped3A = tpu.sem_alloc : memref<!tpu.dma_semaphore, #tpu.memory_space<semaphore_mem>>
      %dma_start3A_76 = tpu.memref_slice %arg2[%mul3A_2] : memref<16384xi32, #tpu.memory_space<hbm>> -> memref<512xi32, #tpu.memory_space<hbm>>
      %dma_start3A_77 = tpu.memref_slice %arg2[%mul3A_2] : memref<16384xi32, #tpu.memory_space<hbm>> -> memref<512xi32, #tpu.memory_space<hbm>>
      tpu.enqueue_dma source(%dma_start3A_77 : memref<512xi32, #tpu.memory_space<hbm>>) target(%arg7 : memref<512xi32, #tpu.memory_space<vmem>>) target_semaphore(%run_scoped3A : memref<!tpu.dma_semaphore, #tpu.memory_space<semaphore_mem>>)
      %dma_wait3A_78 = tpu.memref_slice %arg2[%mul3A_2] : memref<16384xi32, #tpu.memory_space<hbm>> -> memref<512xi32, #tpu.memory_space<hbm>>
      %dma_wait3A_79 = tpu.memref_slice %arg2[%mul3A_2] : memref<16384xi32, #tpu.memory_space<hbm>> -> memref<512xi32, #tpu.memory_space<hbm>>
      tpu.wait_dma2 semaphore(%run_scoped3A : memref<!tpu.dma_semaphore, #tpu.memory_space<semaphore_mem>>) src(%dma_wait3A_79 : memref<512xi32, #tpu.memory_space<hbm>>) dst(%arg7 : memref<512xi32, #tpu.memory_space<vmem>>)
      tpu.yield
    }) : () -> ()
    %dma_start3A = arith.constant 0 : i32
    %dma_start3A_3 = arith.constant 0 : i32
    %dma_start3A_4 = tpu.memref_slice %arg10[%dma_start3A, %dma_start3A_3] : memref<512x32xf32, #tpu.memory_space<vmem>> -> memref<128x32xf32, #tpu.memory_space<vmem>>
    %dma_start3A_5 = arith.constant 0 : i32
    %dma_start3A_6 = tpu.memref_slice %arg7[%dma_start3A_5] : memref<512xi32, #tpu.memory_space<vmem>> -> memref<128xi32, #tpu.memory_space<vmem>>
    %dma_start3A_7 = arith.constant 0 : i32
    %dma_start3A_8 = arith.constant 0 : i32
    %dma_start3A_9 = tpu.memref_slice %arg4[%dma_start3A_7, %dma_start3A_8] : memref<100000x32xf32, #tpu.memory_space<hbm>> -> memref<100000x32xf32, #tpu.memory_space<hbm>>
    tpu.enqueue_indirect_dma source(%dma_start3A_9 : memref<100000x32xf32, #tpu.memory_space<hbm>>) target(%dma_start3A_4 : memref<128x32xf32, #tpu.memory_space<vmem>>) offsets(%dma_start3A_6 : memref<128xi32, #tpu.memory_space<vmem>>) semaphore(%arg12 : memref<!tpu.dma_semaphore, #tpu.memory_space<semaphore_mem>>)
    %dma_start3A_10 = arith.constant 128 : i32
    %dma_start3A_11 = arith.constant 0 : i32
    %dma_start3A_12 = tpu.memref_slice %arg10[%dma_start3A_10, %dma_start3A_11] : memref<512x32xf32, #tpu.memory_space<vmem>> -> memref<128x32xf32, #tpu.memory_space<vmem>>
    %dma_start3A_13 = arith.constant 128 : i32
    %dma_start3A_14 = tpu.memref_slice %arg7[%dma_start3A_13] : memref<512xi32, #tpu.memory_space<vmem>> -> memref<128xi32, #tpu.memory_space<vmem>>
    %dma_start3A_15 = arith.constant 0 : i32
    %dma_start3A_16 = arith.constant 0 : i32
    %dma_start3A_17 = tpu.memref_slice %arg4[%dma_start3A_15, %dma_start3A_16] : memref<100000x32xf32, #tpu.memory_space<hbm>> -> memref<100000x32xf32, #tpu.memory_space<hbm>>
    tpu.enqueue_indirect_dma source(%dma_start3A_17 : memref<100000x32xf32, #tpu.memory_space<hbm>>) target(%dma_start3A_12 : memref<128x32xf32, #tpu.memory_space<vmem>>) offsets(%dma_start3A_14 : memref<128xi32, #tpu.memory_space<vmem>>) semaphore(%arg12 : memref<!tpu.dma_semaphore, #tpu.memory_space<semaphore_mem>>)
    %dma_start3A_18 = arith.constant 256 : i32
    %dma_start3A_19 = arith.constant 0 : i32
    %dma_start3A_20 = tpu.memref_slice %arg10[%dma_start3A_18, %dma_start3A_19] : memref<512x32xf32, #tpu.memory_space<vmem>> -> memref<128x32xf32, #tpu.memory_space<vmem>>
    %dma_start3A_21 = arith.constant 256 : i32
    %dma_start3A_22 = tpu.memref_slice %arg7[%dma_start3A_21] : memref<512xi32, #tpu.memory_space<vmem>> -> memref<128xi32, #tpu.memory_space<vmem>>
    %dma_start3A_23 = arith.constant 0 : i32
    %dma_start3A_24 = arith.constant 0 : i32
    %dma_start3A_25 = tpu.memref_slice %arg4[%dma_start3A_23, %dma_start3A_24] : memref<100000x32xf32, #tpu.memory_space<hbm>> -> memref<100000x32xf32, #tpu.memory_space<hbm>>
    tpu.enqueue_indirect_dma source(%dma_start3A_25 : memref<100000x32xf32, #tpu.memory_space<hbm>>) target(%dma_start3A_20 : memref<128x32xf32, #tpu.memory_space<vmem>>) offsets(%dma_start3A_22 : memref<128xi32, #tpu.memory_space<vmem>>) semaphore(%arg12 : memref<!tpu.dma_semaphore, #tpu.memory_space<semaphore_mem>>)
    %dma_start3A_26 = arith.constant 384 : i32
    %dma_start3A_27 = arith.constant 0 : i32
    %dma_start3A_28 = tpu.memref_slice %arg10[%dma_start3A_26, %dma_start3A_27] : memref<512x32xf32, #tpu.memory_space<vmem>> -> memref<128x32xf32, #tpu.memory_space<vmem>>
    %dma_start3A_29 = arith.constant 384 : i32
    %dma_start3A_30 = tpu.memref_slice %arg7[%dma_start3A_29] : memref<512xi32, #tpu.memory_space<vmem>> -> memref<128xi32, #tpu.memory_space<vmem>>
    %dma_start3A_31 = arith.constant 0 : i32
    %dma_start3A_32 = arith.constant 0 : i32
    %dma_start3A_33 = tpu.memref_slice %arg4[%dma_start3A_31, %dma_start3A_32] : memref<100000x32xf32, #tpu.memory_space<hbm>> -> memref<100000x32xf32, #tpu.memory_space<hbm>>
    tpu.enqueue_indirect_dma source(%dma_start3A_33 : memref<100000x32xf32, #tpu.memory_space<hbm>>) target(%dma_start3A_28 : memref<128x32xf32, #tpu.memory_space<vmem>>) offsets(%dma_start3A_30 : memref<128xi32, #tpu.memory_space<vmem>>) semaphore(%arg12 : memref<!tpu.dma_semaphore, #tpu.memory_space<semaphore_mem>>)
    "tpu.region"() ({
      %run_scoped3A = tpu.sem_alloc : memref<!tpu.dma_semaphore, #tpu.memory_space<semaphore_mem>>
      %dma_start3A_76 = tpu.memref_slice %arg3[%mul3A_2] : memref<16384xi32, #tpu.memory_space<hbm>> -> memref<512xi32, #tpu.memory_space<hbm>>
      %dma_start3A_77 = tpu.memref_slice %arg3[%mul3A_2] : memref<16384xi32, #tpu.memory_space<hbm>> -> memref<512xi32, #tpu.memory_space<hbm>>
      tpu.enqueue_dma source(%dma_start3A_77 : memref<512xi32, #tpu.memory_space<hbm>>) target(%arg8 : memref<512xi32, #tpu.memory_space<vmem>>) target_semaphore(%run_scoped3A : memref<!tpu.dma_semaphore, #tpu.memory_space<semaphore_mem>>)
      %dma_wait3A_78 = tpu.memref_slice %arg3[%mul3A_2] : memref<16384xi32, #tpu.memory_space<hbm>> -> memref<512xi32, #tpu.memory_space<hbm>>
      %dma_wait3A_79 = tpu.memref_slice %arg3[%mul3A_2] : memref<16384xi32, #tpu.memory_space<hbm>> -> memref<512xi32, #tpu.memory_space<hbm>>
      tpu.wait_dma2 semaphore(%run_scoped3A : memref<!tpu.dma_semaphore, #tpu.memory_space<semaphore_mem>>) src(%dma_wait3A_79 : memref<512xi32, #tpu.memory_space<hbm>>) dst(%arg8 : memref<512xi32, #tpu.memory_space<vmem>>)
      tpu.yield
    }) : () -> ()
    "tpu.region"() ({
      %run_scoped3A = tpu.sem_alloc : memref<!tpu.dma_semaphore, #tpu.memory_space<semaphore_mem>>
      tpu.enqueue_dma source(%arg5 : memref<32xf32, #tpu.memory_space<hbm>>) target(%arg9 : memref<32xf32, #tpu.memory_space<vmem>>) target_semaphore(%run_scoped3A : memref<!tpu.dma_semaphore, #tpu.memory_space<semaphore_mem>>)
      tpu.wait_dma2 semaphore(%run_scoped3A : memref<!tpu.dma_semaphore, #tpu.memory_space<semaphore_mem>>) src(%arg5 : memref<32xf32, #tpu.memory_space<hbm>>) dst(%arg9 : memref<32xf32, #tpu.memory_space<vmem>>)
      tpu.yield
    }) : () -> ()
    %get3A = arith.constant 0 : index
    %get3A_34 = tpu.vector_load %arg9[%get3A] {strides = array<i32>} : memref<32xf32, #tpu.memory_space<vmem>>, vector<16xf32>,
    %get3A_35 = arith.constant 16 : index
    %get3A_36 = tpu.vector_load %arg9[%get3A_35] {strides = array<i32>} : memref<32xf32, #tpu.memory_space<vmem>>, vector<16xf32>,
    %dma_wait3A = arith.constant 0 : i32
    %dma_wait3A_37 = arith.constant 0 : i32
    %dma_wait3A_38 = tpu.memref_slice %arg10[%dma_wait3A, %dma_wait3A_37] : memref<512x32xf32, #tpu.memory_space<vmem>> -> memref<128x32xf32, #tpu.memory_space<vmem>>
    %dma_wait3A_39 = arith.constant 0 : i32
    %dma_wait3A_40 = tpu.memref_slice %arg7[%dma_wait3A_39] : memref<512xi32, #tpu.memory_space<vmem>> -> memref<128xi32, #tpu.memory_space<vmem>>
    %dma_wait3A_41 = arith.constant 0 : i32
    %dma_wait3A_42 = arith.constant 0 : i32
    %dma_wait3A_43 = tpu.memref_slice %arg4[%dma_wait3A_41, %dma_wait3A_42] : memref<100000x32xf32, #tpu.memory_space<hbm>> -> memref<100000x32xf32, #tpu.memory_space<hbm>>
    tpu.wait_indirect_dma semaphore(%arg12 : memref<!tpu.dma_semaphore, #tpu.memory_space<semaphore_mem>>) src(%dma_wait3A_43 : memref<100000x32xf32, #tpu.memory_space<hbm>>) dst(%dma_wait3A_38 : memref<128x32xf32, #tpu.memory_space<vmem>>)
    %dma_wait3A_44 = arith.constant 128 : i32
    %dma_wait3A_45 = arith.constant 0 : i32
    %dma_wait3A_46 = tpu.memref_slice %arg10[%dma_wait3A_44, %dma_wait3A_45] : memref<512x32xf32, #tpu.memory_space<vmem>> -> memref<128x32xf32, #tpu.memory_space<vmem>>
    %dma_wait3A_47 = arith.constant 128 : i32
    %dma_wait3A_48 = tpu.memref_slice %arg7[%dma_wait3A_47] : memref<512xi32, #tpu.memory_space<vmem>> -> memref<128xi32, #tpu.memory_space<vmem>>
    %dma_wait3A_49 = arith.constant 0 : i32
    %dma_wait3A_50 = arith.constant 0 : i32
    %dma_wait3A_51 = tpu.memref_slice %arg4[%dma_wait3A_49, %dma_wait3A_50] : memref<100000x32xf32, #tpu.memory_space<hbm>> -> memref<100000x32xf32, #tpu.memory_space<hbm>>
    tpu.wait_indirect_dma semaphore(%arg12 : memref<!tpu.dma_semaphore, #tpu.memory_space<semaphore_mem>>) src(%dma_wait3A_51 : memref<100000x32xf32, #tpu.memory_space<hbm>>) dst(%dma_wait3A_46 : memref<128x32xf32, #tpu.memory_space<vmem>>)
    %dma_wait3A_52 = arith.constant 256 : i32
    %dma_wait3A_53 = arith.constant 0 : i32
    %dma_wait3A_54 = tpu.memref_slice %arg10[%dma_wait3A_52, %dma_wait3A_53] : memref<512x32xf32, #tpu.memory_space<vmem>> -> memref<128x32xf32, #tpu.memory_space<vmem>>
    %dma_wait3A_55 = arith.constant 256 : i32
    %dma_wait3A_56 = tpu.memref_slice %arg7[%dma_wait3A_55] : memref<512xi32, #tpu.memory_space<vmem>> -> memref<128xi32, #tpu.memory_space<vmem>>
    %dma_wait3A_57 = arith.constant 0 : i32
    %dma_wait3A_58 = arith.constant 0 : i32
    %dma_wait3A_59 = tpu.memref_slice %arg4[%dma_wait3A_57, %dma_wait3A_58] : memref<100000x32xf32, #tpu.memory_space<hbm>> -> memref<100000x32xf32, #tpu.memory_space<hbm>>
    tpu.wait_indirect_dma semaphore(%arg12 : memref<!tpu.dma_semaphore, #tpu.memory_space<semaphore_mem>>) src(%dma_wait3A_59 : memref<100000x32xf32, #tpu.memory_space<hbm>>) dst(%dma_wait3A_54 : memref<128x32xf32, #tpu.memory_space<vmem>>)
    %dma_wait3A_60 = arith.constant 384 : i32
    %dma_wait3A_61 = arith.constant 0 : i32
    %dma_wait3A_62 = tpu.memref_slice %arg10[%dma_wait3A_60, %dma_wait3A_61] : memref<512x32xf32, #tpu.memory_space<vmem>> -> memref<128x32xf32, #tpu.memory_space<vmem>>
    %dma_wait3A_63 = arith.constant 384 : i32
    %dma_wait3A_64 = tpu.memref_slice %arg7[%dma_wait3A_63] : memref<512xi32, #tpu.memory_space<vmem>> -> memref<128xi32, #tpu.memory_space<vmem>>
    %dma_wait3A_65 = arith.constant 0 : i32
    %dma_wait3A_66 = arith.constant 0 : i32
    %dma_wait3A_67 = tpu.memref_slice %arg4[%dma_wait3A_65, %dma_wait3A_66] : memref<100000x32xf32, #tpu.memory_space<hbm>> -> memref<100000x32xf32, #tpu.memory_space<hbm>>
    tpu.wait_indirect_dma semaphore(%arg12 : memref<!tpu.dma_semaphore, #tpu.memory_space<semaphore_mem>>) src(%dma_wait3A_67 : memref<100000x32xf32, #tpu.memory_space<hbm>>) dst(%dma_wait3A_62 : memref<128x32xf32, #tpu.memory_space<vmem>>)
    %iota3A = tpu.iota {dimensions = array<i32: 0>} : vector<16xi32>
    %add3A_68 = arith.constant 16 : i32
    %add3A_69 = vector.broadcast %add3A_68 : i32 to vector<16xi32>
    %add3A_70 = arith.addi %iota3A, %add3A_69 : vector<16xi32>
    %scan3A = arith.constant 0 : i32
    %scan3A_71 = arith.constant 0 : i32
    %scan3A_72 = arith.constant 32 : i32
    %scan3A_73 = arith.addi %scan3A_71, %scan3A_72 : i32
    %scan3A_74 = arith.constant 1 : i32
    scf.for %scan3A_76 = %scan3A_71 to %scan3A_73 step %scan3A_74  : i32 {
      %mul3A_77 = arith.constant 16 : i32
      %mul3A_78 = arith.muli %scan3A_76, %mul3A_77 : i32
      %get3A_79 = arith.index_cast %mul3A_78 : i32 to index
      %get3A_80 = tpu.vector_load %arg8[%get3A_79] {strides = array<i32>} : memref<512xi32, #tpu.memory_space<vmem>>, vector<16xi32>,
      %mul3A_81 = arith.constant 16 : i32
      %mul3A_82 = arith.muli %scan3A_76, %mul3A_81 : i32
      %add3A_83 = arith.constant 0 : i32
      %add3A_84 = arith.addi %mul3A_82, %add3A_83 : i32
      %slice3A = vector.extract_strided_slice %get3A_80 {offsets = [0], sizes = [1], strides = [1]} : vector<16xi32> to vector<1xi32>
      %squeeze3A = vector.extract %slice3A[0] : i32 from vector<1xi32>
      %ne3A = arith.constant 0 : i32
      %ne3A_85 = arith.cmpi ne, %squeeze3A, %ne3A : i32
      %broadcast_in_dim3A = vector.broadcast %add3A_84 : i32 to vector<16xi32>
      %get3A_86 = arith.index_cast %add3A_84 : i32 to index
      %get3A_87 = arith.constant 0 : index
      %get3A_88 = tpu.vector_load %arg10[%get3A_86, %get3A_87] {strides = array<i32>} : memref<512x32xf32, #tpu.memory_space<vmem>>, vector<16xf32>,
      %select_n3A = arith.select %ne3A_85, %get3A_88, %get3A_34 : vector<16xf32>
      %get3A_89 = arith.index_cast %add3A_84 : i32 to index
      %get3A_90 = arith.constant 16 : index
      %get3A_91 = tpu.vector_load %arg10[%get3A_89, %get3A_90] {strides = array<i32>} : memref<512x32xf32, #tpu.memory_space<vmem>>, vector<16xf32>,
      %select_n3A_92 = arith.select %ne3A_85, %get3A_91, %get3A_36 : vector<16xf32>
      tpu.vector_store_idx %arg11[%iota3A, %broadcast_in_dim3A], %select_n3A : memref<32x515xf32, #tpu.memory_space<vmem>>[vector<16xi32>, vector<16xi32>], vector<16xf32>,
      tpu.vector_store_idx %arg11[%add3A_70, %broadcast_in_dim3A], %select_n3A_92 : memref<32x515xf32, #tpu.memory_space<vmem>>[vector<16xi32>, vector<16xi32>], vector<16xf32>,
      %mul3A_93 = arith.constant 16 : i32
      %mul3A_94 = arith.muli %scan3A_76, %mul3A_93 : i32
      %add3A_95 = arith.constant 1 : i32
      %add3A_96 = arith.addi %mul3A_94, %add3A_95 : i32
      %slice3A_97 = vector.extract_strided_slice %get3A_80 {offsets = [1], sizes = [1], strides = [1]} : vector<16xi32> to vector<1xi32>
      %squeeze3A_98 = vector.extract %slice3A_97[0] : i32 from vector<1xi32>
      %ne3A_99 = arith.constant 0 : i32
      %ne3A_100 = arith.cmpi ne, %squeeze3A_98, %ne3A_99 : i32
      %broadcast_in_dim3A_101 = vector.broadcast %add3A_96 : i32 to vector<16xi32>
      %get3A_102 = arith.index_cast %add3A_96 : i32 to index
      %get3A_103 = arith.constant 0 : index
      %get3A_104 = tpu.vector_load %arg10[%get3A_102, %get3A_103] {strides = array<i32>} : memref<512x32xf32, #tpu.memory_space<vmem>>, vector<16xf32>,
      %select_n3A_105 = arith.select %ne3A_100, %get3A_104, %get3A_34 : vector<16xf32>
      %get3A_106 = arith.index_cast %add3A_96 : i32 to index
      %get3A_107 = arith.constant 16 : index
      %get3A_108 = tpu.vector_load %arg10[%get3A_106, %get3A_107] {strides = array<i32>} : memref<512x32xf32, #tpu.memory_space<vmem>>, vector<16xf32>,
      %select_n3A_109 = arith.select %ne3A_100, %get3A_108, %get3A_36 : vector<16xf32>
      tpu.vector_store_idx %arg11[%iota3A, %broadcast_in_dim3A_101], %select_n3A_105 : memref<32x515xf32, #tpu.memory_space<vmem>>[vector<16xi32>, vector<16xi32>], vector<16xf32>,
      tpu.vector_store_idx %arg11[%add3A_70, %broadcast_in_dim3A_101], %select_n3A_109 : memref<32x515xf32, #tpu.memory_space<vmem>>[vector<16xi32>, vector<16xi32>], vector<16xf32>,
      %mul3A_110 = arith.constant 16 : i32
      %mul3A_111 = arith.muli %scan3A_76, %mul3A_110 : i32
      %add3A_112 = arith.constant 2 : i32
      %add3A_113 = arith.addi %mul3A_111, %add3A_112 : i32
      %slice3A_114 = vector.extract_strided_slice %get3A_80 {offsets = [2], sizes = [1], strides = [1]} : vector<16xi32> to vector<1xi32>
      %squeeze3A_115 = vector.extract %slice3A_114[0] : i32 from vector<1xi32>
      %ne3A_116 = arith.constant 0 : i32
      %ne3A_117 = arith.cmpi ne, %squeeze3A_115, %ne3A_116 : i32
      %broadcast_in_dim3A_118 = vector.broadcast %add3A_113 : i32 to vector<16xi32>
      %get3A_119 = arith.index_cast %add3A_113 : i32 to index
      %get3A_120 = arith.constant 0 : index
      %get3A_121 = tpu.vector_load %arg10[%get3A_119, %get3A_120] {strides = array<i32>} : memref<512x32xf32, #tpu.memory_space<vmem>>, vector<16xf32>,
      %select_n3A_122 = arith.select %ne3A_117, %get3A_121, %get3A_34 : vector<16xf32>
      %get3A_123 = arith.index_cast %add3A_113 : i32 to index
      %get3A_124 = arith.constant 16 : index
      %get3A_125 = tpu.vector_load %arg10[%get3A_123, %get3A_124] {strides = array<i32>} : memref<512x32xf32, #tpu.memory_space<vmem>>, vector<16xf32>,
      %select_n3A_126 = arith.select %ne3A_117, %get3A_125, %get3A_36 : vector<16xf32>
      tpu.vector_store_idx %arg11[%iota3A, %broadcast_in_dim3A_118], %select_n3A_122 : memref<32x515xf32, #tpu.memory_space<vmem>>[vector<16xi32>, vector<16xi32>], vector<16xf32>,
      tpu.vector_store_idx %arg11[%add3A_70, %broadcast_in_dim3A_118], %select_n3A_126 : memref<32x515xf32, #tpu.memory_space<vmem>>[vector<16xi32>, vector<16xi32>], vector<16xf32>,
      %mul3A_127 = arith.constant 16 : i32
      %mul3A_128 = arith.muli %scan3A_76, %mul3A_127 : i32
      %add3A_129 = arith.constant 3 : i32
      %add3A_130 = arith.addi %mul3A_128, %add3A_129 : i32
      %slice3A_131 = vector.extract_strided_slice %get3A_80 {offsets = [3], sizes = [1], strides = [1]} : vector<16xi32> to vector<1xi32>
      %squeeze3A_132 = vector.extract %slice3A_131[0] : i32 from vector<1xi32>
      %ne3A_133 = arith.constant 0 : i32
      %ne3A_134 = arith.cmpi ne, %squeeze3A_132, %ne3A_133 : i32
      %broadcast_in_dim3A_135 = vector.broadcast %add3A_130 : i32 to vector<16xi32>
      %get3A_136 = arith.index_cast %add3A_130 : i32 to index
      %get3A_137 = arith.constant 0 : index
      %get3A_138 = tpu.vector_load %arg10[%get3A_136, %get3A_137] {strides = array<i32>} : memref<512x32xf32, #tpu.memory_space<vmem>>, vector<16xf32>,
      %select_n3A_139 = arith.select %ne3A_134, %get3A_138, %get3A_34 : vector<16xf32>
      %get3A_140 = arith.index_cast %add3A_130 : i32 to index
      %get3A_141 = arith.constant 16 : index
      %get3A_142 = tpu.vector_load %arg10[%get3A_140, %get3A_141] {strides = array<i32>} : memref<512x32xf32, #tpu.memory_space<vmem>>, vector<16xf32>,
      %select_n3A_143 = arith.select %ne3A_134, %get3A_142, %get3A_36 : vector<16xf32>
      tpu.vector_store_idx %arg11[%iota3A, %broadcast_in_dim3A_135], %select_n3A_139 : memref<32x515xf32, #tpu.memory_space<vmem>>[vector<16xi32>, vector<16xi32>], vector<16xf32>,
      tpu.vector_store_idx %arg11[%add3A_70, %broadcast_in_dim3A_135], %select_n3A_143 : memref<32x515xf32, #tpu.memory_space<vmem>>[vector<16xi32>, vector<16xi32>], vector<16xf32>,
      %mul3A_144 = arith.constant 16 : i32
      %mul3A_145 = arith.muli %scan3A_76, %mul3A_144 : i32
      %add3A_146 = arith.constant 4 : i32
      %add3A_147 = arith.addi %mul3A_145, %add3A_146 : i32
      %slice3A_148 = vector.extract_strided_slice %get3A_80 {offsets = [4], sizes = [1], strides = [1]} : vector<16xi32> to vector<1xi32>
      %squeeze3A_149 = vector.extract %slice3A_148[0] : i32 from vector<1xi32>
      %ne3A_150 = arith.constant 0 : i32
      %ne3A_151 = arith.cmpi ne, %squeeze3A_149, %ne3A_150 : i32
      %broadcast_in_dim3A_152 = vector.broadcast %add3A_147 : i32 to vector<16xi32>
      %get3A_153 = arith.index_cast %add3A_147 : i32 to index
      %get3A_154 = arith.constant 0 : index
      %get3A_155 = tpu.vector_load %arg10[%get3A_153, %get3A_154] {strides = array<i32>} : memref<512x32xf32, #tpu.memory_space<vmem>>, vector<16xf32>,
      %select_n3A_156 = arith.select %ne3A_151, %get3A_155, %get3A_34 : vector<16xf32>
      %get3A_157 = arith.index_cast %add3A_147 : i32 to index
      %get3A_158 = arith.constant 16 : index
      %get3A_159 = tpu.vector_load %arg10[%get3A_157, %get3A_158] {strides = array<i32>} : memref<512x32xf32, #tpu.memory_space<vmem>>, vector<16xf32>,
      %select_n3A_160 = arith.select %ne3A_151, %get3A_159, %get3A_36 : vector<16xf32>
      tpu.vector_store_idx %arg11[%iota3A, %broadcast_in_dim3A_152], %select_n3A_156 : memref<32x515xf32, #tpu.memory_space<vmem>>[vector<16xi32>, vector<16xi32>], vector<16xf32>,
      tpu.vector_store_idx %arg11[%add3A_70, %broadcast_in_dim3A_152], %select_n3A_160 : memref<32x515xf32, #tpu.memory_space<vmem>>[vector<16xi32>, vector<16xi32>], vector<16xf32>,
      %mul3A_161 = arith.constant 16 : i32
      %mul3A_162 = arith.muli %scan3A_76, %mul3A_161 : i32
      %add3A_163 = arith.constant 5 : i32
      %add3A_164 = arith.addi %mul3A_162, %add3A_163 : i32
      %slice3A_165 = vector.extract_strided_slice %get3A_80 {offsets = [5], sizes = [1], strides = [1]} : vector<16xi32> to vector<1xi32>
      %squeeze3A_166 = vector.extract %slice3A_165[0] : i32 from vector<1xi32>
      %ne3A_167 = arith.constant 0 : i32
      %ne3A_168 = arith.cmpi ne, %squeeze3A_166, %ne3A_167 : i32
      %broadcast_in_dim3A_169 = vector.broadcast %add3A_164 : i32 to vector<16xi32>
      %get3A_170 = arith.index_cast %add3A_164 : i32 to index
      %get3A_171 = arith.constant 0 : index
      %get3A_172 = tpu.vector_load %arg10[%get3A_170, %get3A_171] {strides = array<i32>} : memref<512x32xf32, #tpu.memory_space<vmem>>, vector<16xf32>,
      %select_n3A_173 = arith.select %ne3A_168, %get3A_172, %get3A_34 : vector<16xf32>
      %get3A_174 = arith.index_cast %add3A_164 : i32 to index
      %get3A_175 = arith.constant 16 : index
      %get3A_176 = tpu.vector_load %arg10[%get3A_174, %get3A_175] {strides = array<i32>} : memref<512x32xf32, #tpu.memory_space<vmem>>, vector<16xf32>,
      %select_n3A_177 = arith.select %ne3A_168, %get3A_176, %get3A_36 : vector<16xf32>
      tpu.vector_store_idx %arg11[%iota3A, %broadcast_in_dim3A_169], %select_n3A_173 : memref<32x515xf32, #tpu.memory_space<vmem>>[vector<16xi32>, vector<16xi32>], vector<16xf32>,
      tpu.vector_store_idx %arg11[%add3A_70, %broadcast_in_dim3A_169], %select_n3A_177 : memref<32x515xf32, #tpu.memory_space<vmem>>[vector<16xi32>, vector<16xi32>], vector<16xf32>,
      %mul3A_178 = arith.constant 16 : i32
      %mul3A_179 = arith.muli %scan3A_76, %mul3A_178 : i32
      %add3A_180 = arith.constant 6 : i32
      %add3A_181 = arith.addi %mul3A_179, %add3A_180 : i32
      %slice3A_182 = vector.extract_strided_slice %get3A_80 {offsets = [6], sizes = [1], strides = [1]} : vector<16xi32> to vector<1xi32>
      %squeeze3A_183 = vector.extract %slice3A_182[0] : i32 from vector<1xi32>
      %ne3A_184 = arith.constant 0 : i32
      %ne3A_185 = arith.cmpi ne, %squeeze3A_183, %ne3A_184 : i32
      %broadcast_in_dim3A_186 = vector.broadcast %add3A_181 : i32 to vector<16xi32>
      %get3A_187 = arith.index_cast %add3A_181 : i32 to index
      %get3A_188 = arith.constant 0 : index
      %get3A_189 = tpu.vector_load %arg10[%get3A_187, %get3A_188] {strides = array<i32>} : memref<512x32xf32, #tpu.memory_space<vmem>>, vector<16xf32>,
      %select_n3A_190 = arith.select %ne3A_185, %get3A_189, %get3A_34 : vector<16xf32>
      %get3A_191 = arith.index_cast %add3A_181 : i32 to index
      %get3A_192 = arith.constant 16 : index
      %get3A_193 = tpu.vector_load %arg10[%get3A_191, %get3A_192] {strides = array<i32>} : memref<512x32xf32, #tpu.memory_space<vmem>>, vector<16xf32>,
      %select_n3A_194 = arith.select %ne3A_185, %get3A_193, %get3A_36 : vector<16xf32>
      tpu.vector_store_idx %arg11[%iota3A, %broadcast_in_dim3A_186], %select_n3A_190 : memref<32x515xf32, #tpu.memory_space<vmem>>[vector<16xi32>, vector<16xi32>], vector<16xf32>,
      tpu.vector_store_idx %arg11[%add3A_70, %broadcast_in_dim3A_186], %select_n3A_194 : memref<32x515xf32, #tpu.memory_space<vmem>>[vector<16xi32>, vector<16xi32>], vector<16xf32>,
      %mul3A_195 = arith.constant 16 : i32
      %mul3A_196 = arith.muli %scan3A_76, %mul3A_195 : i32
      %add3A_197 = arith.constant 7 : i32
      %add3A_198 = arith.addi %mul3A_196, %add3A_197 : i32
      %slice3A_199 = vector.extract_strided_slice %get3A_80 {offsets = [7], sizes = [1], strides = [1]} : vector<16xi32> to vector<1xi32>
      %squeeze3A_200 = vector.extract %slice3A_199[0] : i32 from vector<1xi32>
      %ne3A_201 = arith.constant 0 : i32
      %ne3A_202 = arith.cmpi ne, %squeeze3A_200, %ne3A_201 : i32
      %broadcast_in_dim3A_203 = vector.broadcast %add3A_198 : i32 to vector<16xi32>
      %get3A_204 = arith.index_cast %add3A_198 : i32 to index
      %get3A_205 = arith.constant 0 : index
      %get3A_206 = tpu.vector_load %arg10[%get3A_204, %get3A_205] {strides = array<i32>} : memref<512x32xf32, #tpu.memory_space<vmem>>, vector<16xf32>,
      %select_n3A_207 = arith.select %ne3A_202, %get3A_206, %get3A_34 : vector<16xf32>
      %get3A_208 = arith.index_cast %add3A_198 : i32 to index
      %get3A_209 = arith.constant 16 : index
      %get3A_210 = tpu.vector_load %arg10[%get3A_208, %get3A_209] {strides = array<i32>} : memref<512x32xf32, #tpu.memory_space<vmem>>, vector<16xf32>,
      %select_n3A_211 = arith.select %ne3A_202, %get3A_210, %get3A_36 : vector<16xf32>
      tpu.vector_store_idx %arg11[%iota3A, %broadcast_in_dim3A_203], %select_n3A_207 : memref<32x515xf32, #tpu.memory_space<vmem>>[vector<16xi32>, vector<16xi32>], vector<16xf32>,
      tpu.vector_store_idx %arg11[%add3A_70, %broadcast_in_dim3A_203], %select_n3A_211 : memref<32x515xf32, #tpu.memory_space<vmem>>[vector<16xi32>, vector<16xi32>], vector<16xf32>,
      %mul3A_212 = arith.constant 16 : i32
      %mul3A_213 = arith.muli %scan3A_76, %mul3A_212 : i32
      %add3A_214 = arith.constant 8 : i32
      %add3A_215 = arith.addi %mul3A_213, %add3A_214 : i32
      %slice3A_216 = vector.extract_strided_slice %get3A_80 {offsets = [8], sizes = [1], strides = [1]} : vector<16xi32> to vector<1xi32>
      %squeeze3A_217 = vector.extract %slice3A_216[0] : i32 from vector<1xi32>
      %ne3A_218 = arith.constant 0 : i32
      %ne3A_219 = arith.cmpi ne, %squeeze3A_217, %ne3A_218 : i32
      %broadcast_in_dim3A_220 = vector.broadcast %add3A_215 : i32 to vector<16xi32>
      %get3A_221 = arith.index_cast %add3A_215 : i32 to index
      %get3A_222 = arith.constant 0 : index
      %get3A_223 = tpu.vector_load %arg10[%get3A_221, %get3A_222] {strides = array<i32>} : memref<512x32xf32, #tpu.memory_space<vmem>>, vector<16xf32>,
      %select_n3A_224 = arith.select %ne3A_219, %get3A_223, %get3A_34 : vector<16xf32>
      %get3A_225 = arith.index_cast %add3A_215 : i32 to index
      %get3A_226 = arith.constant 16 : index
      %get3A_227 = tpu.vector_load %arg10[%get3A_225, %get3A_226] {strides = array<i32>} : memref<512x32xf32, #tpu.memory_space<vmem>>, vector<16xf32>,
      %select_n3A_228 = arith.select %ne3A_219, %get3A_227, %get3A_36 : vector<16xf32>
      tpu.vector_store_idx %arg11[%iota3A, %broadcast_in_dim3A_220], %select_n3A_224 : memref<32x515xf32, #tpu.memory_space<vmem>>[vector<16xi32>, vector<16xi32>], vector<16xf32>,
      tpu.vector_store_idx %arg11[%add3A_70, %broadcast_in_dim3A_220], %select_n3A_228 : memref<32x515xf32, #tpu.memory_space<vmem>>[vector<16xi32>, vector<16xi32>], vector<16xf32>,
      %mul3A_229 = arith.constant 16 : i32
      %mul3A_230 = arith.muli %scan3A_76, %mul3A_229 : i32
      %add3A_231 = arith.constant 9 : i32
      %add3A_232 = arith.addi %mul3A_230, %add3A_231 : i32
      %slice3A_233 = vector.extract_strided_slice %get3A_80 {offsets = [9], sizes = [1], strides = [1]} : vector<16xi32> to vector<1xi32>
      %squeeze3A_234 = vector.extract %slice3A_233[0] : i32 from vector<1xi32>
      %ne3A_235 = arith.constant 0 : i32
      %ne3A_236 = arith.cmpi ne, %squeeze3A_234, %ne3A_235 : i32
      %broadcast_in_dim3A_237 = vector.broadcast %add3A_232 : i32 to vector<16xi32>
      %get3A_238 = arith.index_cast %add3A_232 : i32 to index
      %get3A_239 = arith.constant 0 : index
      %get3A_240 = tpu.vector_load %arg10[%get3A_238, %get3A_239] {strides = array<i32>} : memref<512x32xf32, #tpu.memory_space<vmem>>, vector<16xf32>,
      %select_n3A_241 = arith.select %ne3A_236, %get3A_240, %get3A_34 : vector<16xf32>
      %get3A_242 = arith.index_cast %add3A_232 : i32 to index
      %get3A_243 = arith.constant 16 : index
      %get3A_244 = tpu.vector_load %arg10[%get3A_242, %get3A_243] {strides = array<i32>} : memref<512x32xf32, #tpu.memory_space<vmem>>, vector<16xf32>,
      %select_n3A_245 = arith.select %ne3A_236, %get3A_244, %get3A_36 : vector<16xf32>
      tpu.vector_store_idx %arg11[%iota3A, %broadcast_in_dim3A_237], %select_n3A_241 : memref<32x515xf32, #tpu.memory_space<vmem>>[vector<16xi32>, vector<16xi32>], vector<16xf32>,
      tpu.vector_store_idx %arg11[%add3A_70, %broadcast_in_dim3A_237], %select_n3A_245 : memref<32x515xf32, #tpu.memory_space<vmem>>[vector<16xi32>, vector<16xi32>], vector<16xf32>,
      %mul3A_246 = arith.constant 16 : i32
      %mul3A_247 = arith.muli %scan3A_76, %mul3A_246 : i32
      %add3A_248 = arith.constant 10 : i32
      %add3A_249 = arith.addi %mul3A_247, %add3A_248 : i32
      %slice3A_250 = vector.extract_strided_slice %get3A_80 {offsets = [10], sizes = [1], strides = [1]} : vector<16xi32> to vector<1xi32>
      %squeeze3A_251 = vector.extract %slice3A_250[0] : i32 from vector<1xi32>
      %ne3A_252 = arith.constant 0 : i32
      %ne3A_253 = arith.cmpi ne, %squeeze3A_251, %ne3A_252 : i32
      %broadcast_in_dim3A_254 = vector.broadcast %add3A_249 : i32 to vector<16xi32>
      %get3A_255 = arith.index_cast %add3A_249 : i32 to index
      %get3A_256 = arith.constant 0 : index
      %get3A_257 = tpu.vector_load %arg10[%get3A_255, %get3A_256] {strides = array<i32>} : memref<512x32xf32, #tpu.memory_space<vmem>>, vector<16xf32>,
      %select_n3A_258 = arith.select %ne3A_253, %get3A_257, %get3A_34 : vector<16xf32>
      %get3A_259 = arith.index_cast %add3A_249 : i32 to index
      %get3A_260 = arith.constant 16 : index
      %get3A_261 = tpu.vector_load %arg10[%get3A_259, %get3A_260] {strides = array<i32>} : memref<512x32xf32, #tpu.memory_space<vmem>>, vector<16xf32>,
      %select_n3A_262 = arith.select %ne3A_253, %get3A_261, %get3A_36 : vector<16xf32>
      tpu.vector_store_idx %arg11[%iota3A, %broadcast_in_dim3A_254], %select_n3A_258 : memref<32x515xf32, #tpu.memory_space<vmem>>[vector<16xi32>, vector<16xi32>], vector<16xf32>,
      tpu.vector_store_idx %arg11[%add3A_70, %broadcast_in_dim3A_254], %select_n3A_262 : memref<32x515xf32, #tpu.memory_space<vmem>>[vector<16xi32>, vector<16xi32>], vector<16xf32>,
      %mul3A_263 = arith.constant 16 : i32
      %mul3A_264 = arith.muli %scan3A_76, %mul3A_263 : i32
      %add3A_265 = arith.constant 11 : i32
      %add3A_266 = arith.addi %mul3A_264, %add3A_265 : i32
      %slice3A_267 = vector.extract_strided_slice %get3A_80 {offsets = [11], sizes = [1], strides = [1]} : vector<16xi32> to vector<1xi32>
      %squeeze3A_268 = vector.extract %slice3A_267[0] : i32 from vector<1xi32>
      %ne3A_269 = arith.constant 0 : i32
      %ne3A_270 = arith.cmpi ne, %squeeze3A_268, %ne3A_269 : i32
      %broadcast_in_dim3A_271 = vector.broadcast %add3A_266 : i32 to vector<16xi32>
      %get3A_272 = arith.index_cast %add3A_266 : i32 to index
      %get3A_273 = arith.constant 0 : index
      %get3A_274 = tpu.vector_load %arg10[%get3A_272, %get3A_273] {strides = array<i32>} : memref<512x32xf32, #tpu.memory_space<vmem>>, vector<16xf32>,
      %select_n3A_275 = arith.select %ne3A_270, %get3A_274, %get3A_34 : vector<16xf32>
      %get3A_276 = arith.index_cast %add3A_266 : i32 to index
      %get3A_277 = arith.constant 16 : index
      %get3A_278 = tpu.vector_load %arg10[%get3A_276, %get3A_277] {strides = array<i32>} : memref<512x32xf32, #tpu.memory_space<vmem>>, vector<16xf32>,
      %select_n3A_279 = arith.select %ne3A_270, %get3A_278, %get3A_36 : vector<16xf32>
      tpu.vector_store_idx %arg11[%iota3A, %broadcast_in_dim3A_271], %select_n3A_275 : memref<32x515xf32, #tpu.memory_space<vmem>>[vector<16xi32>, vector<16xi32>], vector<16xf32>,
      tpu.vector_store_idx %arg11[%add3A_70, %broadcast_in_dim3A_271], %select_n3A_279 : memref<32x515xf32, #tpu.memory_space<vmem>>[vector<16xi32>, vector<16xi32>], vector<16xf32>,
      %mul3A_280 = arith.constant 16 : i32
      %mul3A_281 = arith.muli %scan3A_76, %mul3A_280 : i32
      %add3A_282 = arith.constant 12 : i32
      %add3A_283 = arith.addi %mul3A_281, %add3A_282 : i32
      %slice3A_284 = vector.extract_strided_slice %get3A_80 {offsets = [12], sizes = [1], strides = [1]} : vector<16xi32> to vector<1xi32>
      %squeeze3A_285 = vector.extract %slice3A_284[0] : i32 from vector<1xi32>
      %ne3A_286 = arith.constant 0 : i32
      %ne3A_287 = arith.cmpi ne, %squeeze3A_285, %ne3A_286 : i32
      %broadcast_in_dim3A_288 = vector.broadcast %add3A_283 : i32 to vector<16xi32>
      %get3A_289 = arith.index_cast %add3A_283 : i32 to index
      %get3A_290 = arith.constant 0 : index
      %get3A_291 = tpu.vector_load %arg10[%get3A_289, %get3A_290] {strides = array<i32>} : memref<512x32xf32, #tpu.memory_space<vmem>>, vector<16xf32>,
      %select_n3A_292 = arith.select %ne3A_287, %get3A_291, %get3A_34 : vector<16xf32>
      %get3A_293 = arith.index_cast %add3A_283 : i32 to index
      %get3A_294 = arith.constant 16 : index
      %get3A_295 = tpu.vector_load %arg10[%get3A_293, %get3A_294] {strides = array<i32>} : memref<512x32xf32, #tpu.memory_space<vmem>>, vector<16xf32>,
      %select_n3A_296 = arith.select %ne3A_287, %get3A_295, %get3A_36 : vector<16xf32>
      tpu.vector_store_idx %arg11[%iota3A, %broadcast_in_dim3A_288], %select_n3A_292 : memref<32x515xf32, #tpu.memory_space<vmem>>[vector<16xi32>, vector<16xi32>], vector<16xf32>,
      tpu.vector_store_idx %arg11[%add3A_70, %broadcast_in_dim3A_288], %select_n3A_296 : memref<32x515xf32, #tpu.memory_space<vmem>>[vector<16xi32>, vector<16xi32>], vector<16xf32>,
      %mul3A_297 = arith.constant 16 : i32
      %mul3A_298 = arith.muli %scan3A_76, %mul3A_297 : i32
      %add3A_299 = arith.constant 13 : i32
      %add3A_300 = arith.addi %mul3A_298, %add3A_299 : i32
      %slice3A_301 = vector.extract_strided_slice %get3A_80 {offsets = [13], sizes = [1], strides = [1]} : vector<16xi32> to vector<1xi32>
      %squeeze3A_302 = vector.extract %slice3A_301[0] : i32 from vector<1xi32>
      %ne3A_303 = arith.constant 0 : i32
      %ne3A_304 = arith.cmpi ne, %squeeze3A_302, %ne3A_303 : i32
      %broadcast_in_dim3A_305 = vector.broadcast %add3A_300 : i32 to vector<16xi32>
      %get3A_306 = arith.index_cast %add3A_300 : i32 to index
      %get3A_307 = arith.constant 0 : index
      %get3A_308 = tpu.vector_load %arg10[%get3A_306, %get3A_307] {strides = array<i32>} : memref<512x32xf32, #tpu.memory_space<vmem>>, vector<16xf32>,
      %select_n3A_309 = arith.select %ne3A_304, %get3A_308, %get3A_34 : vector<16xf32>
      %get3A_310 = arith.index_cast %add3A_300 : i32 to index
      %get3A_311 = arith.constant 16 : index
      %get3A_312 = tpu.vector_load %arg10[%get3A_310, %get3A_311] {strides = array<i32>} : memref<512x32xf32, #tpu.memory_space<vmem>>, vector<16xf32>,
      %select_n3A_313 = arith.select %ne3A_304, %get3A_312, %get3A_36 : vector<16xf32>
      tpu.vector_store_idx %arg11[%iota3A, %broadcast_in_dim3A_305], %select_n3A_309 : memref<32x515xf32, #tpu.memory_space<vmem>>[vector<16xi32>, vector<16xi32>], vector<16xf32>,
      tpu.vector_store_idx %arg11[%add3A_70, %broadcast_in_dim3A_305], %select_n3A_313 : memref<32x515xf32, #tpu.memory_space<vmem>>[vector<16xi32>, vector<16xi32>], vector<16xf32>,
      %mul3A_314 = arith.constant 16 : i32
      %mul3A_315 = arith.muli %scan3A_76, %mul3A_314 : i32
      %add3A_316 = arith.constant 14 : i32
      %add3A_317 = arith.addi %mul3A_315, %add3A_316 : i32
      %slice3A_318 = vector.extract_strided_slice %get3A_80 {offsets = [14], sizes = [1], strides = [1]} : vector<16xi32> to vector<1xi32>
      %squeeze3A_319 = vector.extract %slice3A_318[0] : i32 from vector<1xi32>
      %ne3A_320 = arith.constant 0 : i32
      %ne3A_321 = arith.cmpi ne, %squeeze3A_319, %ne3A_320 : i32
      %broadcast_in_dim3A_322 = vector.broadcast %add3A_317 : i32 to vector<16xi32>
      %get3A_323 = arith.index_cast %add3A_317 : i32 to index
      %get3A_324 = arith.constant 0 : index
      %get3A_325 = tpu.vector_load %arg10[%get3A_323, %get3A_324] {strides = array<i32>} : memref<512x32xf32, #tpu.memory_space<vmem>>, vector<16xf32>,
      %select_n3A_326 = arith.select %ne3A_321, %get3A_325, %get3A_34 : vector<16xf32>
      %get3A_327 = arith.index_cast %add3A_317 : i32 to index
      %get3A_328 = arith.constant 16 : index
      %get3A_329 = tpu.vector_load %arg10[%get3A_327, %get3A_328] {strides = array<i32>} : memref<512x32xf32, #tpu.memory_space<vmem>>, vector<16xf32>,
      %select_n3A_330 = arith.select %ne3A_321, %get3A_329, %get3A_36 : vector<16xf32>
      tpu.vector_store_idx %arg11[%iota3A, %broadcast_in_dim3A_322], %select_n3A_326 : memref<32x515xf32, #tpu.memory_space<vmem>>[vector<16xi32>, vector<16xi32>], vector<16xf32>,
      tpu.vector_store_idx %arg11[%add3A_70, %broadcast_in_dim3A_322], %select_n3A_330 : memref<32x515xf32, #tpu.memory_space<vmem>>[vector<16xi32>, vector<16xi32>], vector<16xf32>,
      %mul3A_331 = arith.constant 16 : i32
      %mul3A_332 = arith.muli %scan3A_76, %mul3A_331 : i32
      %add3A_333 = arith.constant 15 : i32
      %add3A_334 = arith.addi %mul3A_332, %add3A_333 : i32
      %slice3A_335 = vector.extract_strided_slice %get3A_80 {offsets = [15], sizes = [1], strides = [1]} : vector<16xi32> to vector<1xi32>
      %squeeze3A_336 = vector.extract %slice3A_335[0] : i32 from vector<1xi32>
      %ne3A_337 = arith.constant 0 : i32
      %ne3A_338 = arith.cmpi ne, %squeeze3A_336, %ne3A_337 : i32
      %broadcast_in_dim3A_339 = vector.broadcast %add3A_334 : i32 to vector<16xi32>
      %get3A_340 = arith.index_cast %add3A_334 : i32 to index
      %get3A_341 = arith.constant 0 : index
      %get3A_342 = tpu.vector_load %arg10[%get3A_340, %get3A_341] {strides = array<i32>} : memref<512x32xf32, #tpu.memory_space<vmem>>, vector<16xf32>,
      %select_n3A_343 = arith.select %ne3A_338, %get3A_342, %get3A_34 : vector<16xf32>
      %get3A_344 = arith.index_cast %add3A_334 : i32 to index
      %get3A_345 = arith.constant 16 : index
      %get3A_346 = tpu.vector_load %arg10[%get3A_344, %get3A_345] {strides = array<i32>} : memref<512x32xf32, #tpu.memory_space<vmem>>, vector<16xf32>,
      %select_n3A_347 = arith.select %ne3A_338, %get3A_346, %get3A_36 : vector<16xf32>
      tpu.vector_store_idx %arg11[%iota3A, %broadcast_in_dim3A_339], %select_n3A_343 : memref<32x515xf32, #tpu.memory_space<vmem>>[vector<16xi32>, vector<16xi32>], vector<16xf32>,
      tpu.vector_store_idx %arg11[%add3A_70, %broadcast_in_dim3A_339], %select_n3A_347 : memref<32x515xf32, #tpu.memory_space<vmem>>[vector<16xi32>, vector<16xi32>], vector<16xf32>,
    }
    %scan3A_75 = arith.constant 32 : i32
    "tpu.region"() ({
      %run_scoped3A = tpu.sem_alloc : memref<!tpu.dma_semaphore, #tpu.memory_space<semaphore_mem>>
      %dma_start3A_76 = arith.constant 0 : i32
      %dma_start3A_77 = arith.constant 0 : i32
      %dma_start3A_78 = tpu.memref_slice %arg11[%dma_start3A_76, %dma_start3A_77] : memref<32x515xf32, #tpu.memory_space<vmem>> -> memref<32x512xf32, #tpu.memory_space<vmem>>
      %dma_start3A_79 = arith.constant 0 : i32
      %dma_start3A_80 = tpu.memref_slice %arg6[%dma_start3A_79, %mul3A_2] : memref<32x16384xf32, #tpu.memory_space<hbm>> -> memref<32x512xf32, #tpu.memory_space<hbm>>
      %dma_start3A_81 = arith.constant 0 : i32
      %dma_start3A_82 = tpu.memref_slice %arg6[%dma_start3A_81, %mul3A_2] : memref<32x16384xf32, #tpu.memory_space<hbm>> -> memref<32x512xf32, #tpu.memory_space<hbm>>
      %dma_start3A_83 = arith.constant 0 : i32
      %dma_start3A_84 = arith.constant 0 : i32
      %dma_start3A_85 = tpu.memref_slice %arg11[%dma_start3A_83, %dma_start3A_84] : memref<32x515xf32, #tpu.memory_space<vmem>> -> memref<32x512xf32, #tpu.memory_space<vmem>>
      tpu.enqueue_dma source(%dma_start3A_85 : memref<32x512xf32, #tpu.memory_space<vmem>>) target(%dma_start3A_82 : memref<32x512xf32, #tpu.memory_space<hbm>>) target_semaphore(%run_scoped3A : memref<!tpu.dma_semaphore, #tpu.memory_space<semaphore_mem>>)
      %dma_wait3A_86 = arith.constant 0 : i32
      %dma_wait3A_87 = arith.constant 0 : i32
      %dma_wait3A_88 = tpu.memref_slice %arg11[%dma_wait3A_86, %dma_wait3A_87] : memref<32x515xf32, #tpu.memory_space<vmem>> -> memref<32x512xf32, #tpu.memory_space<vmem>>
      %dma_wait3A_89 = arith.constant 0 : i32
      %dma_wait3A_90 = tpu.memref_slice %arg6[%dma_wait3A_89, %mul3A_2] : memref<32x16384xf32, #tpu.memory_space<hbm>> -> memref<32x512xf32, #tpu.memory_space<hbm>>
      %dma_wait3A_91 = arith.constant 0 : i32
      %dma_wait3A_92 = tpu.memref_slice %arg6[%dma_wait3A_91, %mul3A_2] : memref<32x16384xf32, #tpu.memory_space<hbm>> -> memref<32x512xf32, #tpu.memory_space<hbm>>
      %dma_wait3A_93 = arith.constant 0 : i32
      %dma_wait3A_94 = arith.constant 0 : i32
      %dma_wait3A_95 = tpu.memref_slice %arg11[%dma_wait3A_93, %dma_wait3A_94] : memref<32x515xf32, #tpu.memory_space<vmem>> -> memref<32x512xf32, #tpu.memory_space<vmem>>
      tpu.wait_dma2 semaphore(%run_scoped3A : memref<!tpu.dma_semaphore, #tpu.memory_space<semaphore_mem>>) src(%dma_wait3A_95 : memref<32x512xf32, #tpu.memory_space<vmem>>) dst(%dma_wait3A_92 : memref<32x512xf32, #tpu.memory_space<hbm>>)
      tpu.yield
    }) : () -> ()
    return
  }
}

</mosaic_0001>

<sc_bundles>
// kernel: kernel.4.cloned.1.call-start
scs
__scs_entry_jumppad:
0x0: {  	(pc) =	sbr.rel $0x88, $3  }
0x1: {  	(tag) =	ssettag $0x0;
	lr =	simm.s32 $0x1  }
0x2: {  	[smem:$0x3F9B] =	sst lr;
	_ =	strace $0xD0000000  }
0x3: {  	_ = 	snop  }
0x4: {  	_ = 	snop  }
0x5: {  	_ = 	snop  }
0x6: {  	_ = 	snop  }
0x7: {  	_ = 	snop  }
__scs_overlays_trampoline_lowered:
0x8: {  	[smem:$0x3FAA] =	sst s0  }
0x9: {  	[smem:$0x3FAB] =	sst s1  }
0xa: {  	[smem:$0x3FAC] =	sst s2  }
0xb: {  	[smem:$0x3FAD] =	sst s3  }
0xc: {  	[smem:$0x3FAE] =	sst s4  }
0xd: {  	[smem:$0x3FAF] =	sst s5  }
0xe: {  	[smem:$0x3FB0] =	sst s6  }
0xf: {  	[smem:$0x3FB1] =	sst s7  }
0x10: {  	[smem:$0x3FB2] =	sst s8  }
0x11: {  	[smem:$0x3FB3] =	sst s9;
	s0 =	simm.s32 @!p0 $0x0  }
0x12: {  	s1 =	sld [smem:$0x3F99];
	s0 =	simm.s32 @p0 $0x1  }
0x13: {  	[smem:$0x3FB4] =	sst s0;
	s0 =	simm.s32 @!p1 $0x0  }
0x14: {  	s2 =	sld [smem:$0x3F98];
	s0 =	simm.s32 @p1 $0x1  }
0x15: {  	[smem:$0x3FB5] =	sst s0;
	s0 =	simm.s32 @!p2 $0x0  }
0x16: {  	s3 =	sld [smem:$0x3FDB];
	s0 =	simm.s32 @p2 $0x1  }
0x17: {  	s4 =	simm.s32 $0x1BF5;
	[smem:$0x3FB7] =	sst s0  }
0x18: {  	s0 =	sld [smem:$0x3F9A];
	_ =	swait.ge [sflag:s4], $0x0  }
0x19: {  	s7 =	sld [smem:$0x3F9B]  }
0x1a: {  	s8 =	sadd.s32 $0xFFFFE003, lr  }
0x1b: {  	s9 =	sadd.s32 $0xFFFFFEF7, lr;
	s5 =	simm.s32 $0xFFFFFFFF;
	p2 =	slt.u32 s8, $0xFFFFF086  }
0x1c: {  	p1 =	slt.u32 s9, $0xF7A;
	s5 =	simm.s32 @!p2 $0x0  }
0x1d: {  	s5 =	simm.s32 @p1 $0x1;
	p0 =	seq.s32 s7, s2  }
0x1e: {  	s7 =	smul.u32 @!p0 $0xF7A, s2;
	p2 =	seq.s32 @!p0 s5, $0x0  }
0x1f: {  	s9 =	smul.u32 $0xF7A, s1;
	s8 =	simm.s32 @!p0 $0x1BF5;
	p2 =	por !p2, p0  }
0x20: {  	[sflag:s8] =	ssyncset.s32 @!p0 $0xFFFFF086;
	s6 =	sadd.s32 @!p0 s3, s7;
	s7 =	simm.s32 @!p0 $0x108  }
0x21: {  	s3 =	sadd.s32 s3, s9;
	s6 =	sadd.s32 @!p0 $0x88, s6;
	s7 =	simm.s32 @p2 $0x1082  }
0x22: {  	[simem:s7], [sflag:s8] =	dma.local @!p0 [hbm:s6], $0xF7A  }
0x23: {  	s9 =	sor.u32 $0xD0000000, s2;
	s6 =	simm.s32 $0x108;
	_ =	swait.ge @!p0 [sflag:s8], $0x0  }
0x24: {  	s3 =	sadd.s32 $0x88, s3;
	s6 =	simm.s32 @!p1 $0x1082;
	[sflag:s4] =	ssyncset.s32 $0xFFFFF086  }
0x25: {  	[simem:s6], [sflag:s4] =	dma.local [hbm:s3], $0xF7A  }
0x26: {  	[smem:$0x3F9B] =	sst s1;
	(tag) =	ssettag s2;
	_ =	strace s9  }
0x27: {  	s1 =	sld [smem:$0x3FAB]  }
0x28: {  	s2 =	sld [smem:$0x3FAC]  }
0x29: {  	s4 =	sld [smem:$0x3FAE]  }
0x2a: {  	p0 =	seq.s32 s5, $0x0;
	s5 =	sld [smem:$0x3FAF]  }
0x2b: {  	s6 =	sld [smem:$0x3FB0]  }
0x2c: {  	s7 =	sld [smem:$0x3FB1]  }
0x2d: {  	s3 =	simm.s32 $0x108;
	s8 =	sld [smem:$0x3FB2]  }
0x2e: {  	s3 =	simm.s32 @!p0 $0x1082;
	s9 =	sld [smem:$0x3FB3]  }
0x2f: {  	lr =	sadd.s32 s0, s3;
	s0 =	sld [smem:$0x3FAA]  }
0x30: {  	s3 =	sld [smem:$0x3FAD]  }
0x31: {  	[smem:$0x3FB6] =	sst s10  }
0x32: {  	s10 =	sld [smem:$0x3FB4];
	_ =	sdelay $0x3  }
0x33: {  	p0 =	seq.s32 s10, $0x1;
	s10 =	sld [smem:$0x3FB6];
	_ =	sdelay $0x3  }
0x34: {  	[smem:$0x3FB6] =	sst s10  }
0x35: {  	s10 =	sld [smem:$0x3FB5];
	_ =	sdelay $0x3  }
0x36: {  	p1 =	seq.s32 s10, $0x1;
	s10 =	sld [smem:$0x3FB6];
	_ =	sdelay $0x3  }
0x37: {  	[smem:$0x3FB6] =	sst s10  }
0x38: {  	s10 =	sld [smem:$0x3FB7]  }
0x39: {  	_ = 	snop;
	(pc) =	sbr.ind lr, $3  }
0x3a: {  	_ = 	snop  }
0x3b: {  	_ = 	snop  }
0x3c: {  	p2 =	seq.s32 s10, $0x1;
	s10 =	sld [smem:$0x3FB6]  }
0x3d: {  	_ =	shalt  }
0x3e: {  	_ =	shalt  }
0x3f: {  	_ =	shalt  }
0x40: {  	_ =	shalt  }
0x41: {  	_ =	shalt  }
0x42: {  	_ =	shalt  }
0x43: {  	_ =	shalt  }
0x44: {  	_ =	shalt  }
0x45: {  	_ =	shalt  }
0x46: {  	_ =	shalt  }
0x47: {  	_ =	shalt  }
0x48: {  	_ =	shalt  }
0x49: {  	_ =	shalt  }
0x4a: {  	_ =	shalt  }
0x4b: {  	_ =	shalt  }
0x4c: {  	_ =	shalt  }
0x4d: {  	_ =	shalt  }
0x4e: {  	_ =	shalt  }
0x4f: {  	_ =	shalt  }
0x50: {  	_ =	shalt  }
0x51: {  	_ =	shalt  }
0x52: {  	_ =	shalt  }
0x53: {  	_ =	shalt  }
0x54: {  	_ =	shalt  }
0x55: {  	_ =	shalt  }
0x56: {  	_ =	shalt  }
0x57: {  	_ =	shalt  }
0x58: {  	_ =	shalt  }
0x59: {  	_ =	shalt  }
0x5a: {  	_ =	shalt  }
0x5b: {  	_ =	shalt  }
0x5c: {  	_ =	shalt  }
0x5d: {  	_ =	shalt  }
0x5e: {  	_ =	shalt  }
0x5f: {  	_ =	shalt  }
0x60: {  	_ =	shalt  }
0x61: {  	_ =	shalt  }
0x62: {  	_ =	shalt  }
0x63: {  	_ =	shalt  }
0x64: {  	_ =	shalt  }
0x65: {  	_ =	shalt  }
0x66: {  	_ =	shalt  }
0x67: {  	_ =	shalt  }
0x68: {  	_ =	shalt  }
0x69: {  	_ =	shalt  }
0x6a: {  	_ =	shalt  }
0x6b: {  	_ =	shalt  }
0x6c: {  	_ =	shalt  }
0x6d: {  	_ =	shalt  }
0x6e: {  	_ =	shalt  }
0x6f: {  	_ =	shalt  }
0x70: {  	_ =	shalt  }
0x71: {  	_ =	shalt  }
0x72: {  	_ =	shalt  }
0x73: {  	_ =	shalt  }
0x74: {  	_ =	shalt  }
0x75: {  	_ =	shalt  }
0x76: {  	_ =	shalt  }
0x77: {  	_ =	shalt  }
0x78: {  	_ =	shalt  }
0x79: {  	_ =	shalt  }
0x7a: {  	_ =	shalt  }
0x7b: {  	_ =	shalt  }
0x7c: {  	_ =	shalt  }
0x7d: {  	_ =	shalt  }
0x7e: {  	_ =	shalt  }
0x7f: {  	_ =	shalt  }
0x80: {  	_ =	shalt  }
0x81: {  	_ =	shalt  }
0x82: {  	_ =	shalt  }
0x83: {  	_ =	shalt  }
0x84: {  	_ =	shalt  }
0x85: {  	_ =	shalt  }
0x86: {  	_ =	shalt  }
0x87: {  	_ =	shalt  }
.Lfunc_end0:
.L_simem_size_0:
called_computation_lowered:
.L_overlay_start_0:
0x88: {  	s2 =	sld [smem:$0x3FD9]  }
0x89: {  	s3 =	sld [smem:$0x3FFE];
	_ =	sdelay $0x1  }
0x8a: {  	s1 =	srdreg.scid  }
0x8b: {  	s0 =	sand.u32 $0x1, s1  }
0x8c: {  	s14 =	sshll.u32 s0, $0xA;
	s2 =	sadd.s32 s3, s2  }
0x8d: {  	s2 =	sadd.s32 s2, s14  }
0x8e: {  	[smem:$0x3FC2] =	sst s2  }
0x8f: {  	_ = 	snop  }
0x90: {  	s2 =	sld [smem:$0x3FD0];
	_ =	sdelay $0x1  }
0x91: {  	s15 =	sld [smem:$0x3FC9]  }
0x92: {  	s5 =	simm.s32 $0xB;
	s6 =	simm.s32 $0x10;
	s4 =	sld [smem:$0x3FC5]  }
0x93: {  	[smem:s6], [sflag:s5] =	dma.local [hbm:s2], $0x1  }
0x94: {  	_ =	swait.eq [sflag:s5], $0x1  }
0x95: {  	[sflag:s5] =	ssyncset.done $0x0  }
0x96: {  	[sflag:s5] =	ssyncadd.s32 $0xFFFFFFFF  }
0x97: {  	s16 =	sld [smem:$0x11];
	(tm) =	ssettm $0x1  }
0x98: {  	s17 =	sld [smem:$0x3FFB];
	_ =	sdelay $0x3  }
0x99: {  	_ =	strace s17  }
0x9a: {  	s5 =	sld [smem:$0x3FFC];
	_ =	sdelay $0x3  }
0x9b: {  	_ =	strace s5  }
0x9c: {  	s5 =	sld [smem:$0x3FFD];
	_ =	sdelay $0x3  }
0x9d: {  	_ =	strace s5  }
0x9e: {  	_ =	strace $0x8FFFFFFF  }
0x9f: {  	s18 =	sld [smem:$0x3FDB];
	_ =	sdelay $0x1  }
0xa0: {  	s19 =	simm.s32 $_scs_section_size  }
0xa1: {  	s7 =	simm.s32 $_size__tile_overlayer_lowered;
	s8 =	simm.s32 $_tile_overlayer_lowered  }
0xa2: {  	s22 =	simm.s32 $0x1BFF;
	s21 =	sshll.u32 s8, $0x1;
	s5 =	sadd.s32 s19, s18  }
0xa3: {  	s9 =	simm.s32 $0x0;
	s20 =	sshll.u32 s7, $0x1;
	s7 =	sadd.s32 s21, s5  }
0xa4: {  	[timem:s9], [sflag:s22] =	dma.local [hbm:s7], s20  }
0xa5: {  	_ =	swait.ge [sflag:s22], s20  }
0xa6: {  	s6 =	ssub.s32 $0x0, s20;
	[sflag:s22] =	ssyncset.done $0x0  }
0xa7: {  	[sflag:s22] =	ssyncadd.s32 s6;
	_ =	sdelay $0x1  }
0xa8: {  	s23 =	simm.s32 $0x1B8B  }
0xa9: {  	_ =	swait.ge [sflag:s23], $0x1  }
0xaa: {  	[sflag:s23] =	ssyncset.done $0x0  }
0xab: {  	s25 =	simm.s32 $0x1B8E;
	s24 =	sld [smem:$0x3FFE];
	[sflag:s23] =	ssyncadd.s32 $0xFFFFFFFF  }
0xac: {  	s26 =	simm.s32 $execute0_lowered;
	[smem:$0x3FD2] =	sst s25  }
0xad: {  	s7 =	sshll.u32 s26, $0x1;
	_ =	strace $0x80000046;
	[dreg:$0x1] =	wrdreg $0xFFFFFFFF  }
0xae: {  	s28 =	simm.s32 $_size_execute0_lowered;
	s5 =	sadd.s32 s5, s7;
	[dreg:$0x0] =	wrdreg $0x0  }
0xaf: {  	s7 =	sshll.u32 s28, $0x1;
	[dreg:$0x2] =	wrdreg s5  }
0xb0: {  	[dreg:$0x3] =	wrdreg s7  }
0xb1: {  	[dreg:$0x4] =	wrdreg $0xC0  }
0xb2: {  	_ =	task [dreg:s9], $0x5FFFF  }
0xb3: {  	[dreg:$0x1] =	wrdreg $0xFFFFFFFF  }
0xb4: {  	[dreg:$0x0] =	wrdreg $0x60  }
0xb5: {  	[dreg:$0x2] =	wrdreg s15  }
0xb6: {  	[dreg:$0x3] =	wrdreg s24  }
0xb7: {  	[dreg:$0x4] =	wrdreg s4  }
0xb8: {  	[dreg:$0x5] =	wrdreg s16  }
0xb9: {  	[dreg:$0x6] =	wrdreg $0x9  }
0xba: {  	_ =	task.clear_ibuf [dreg:s9], $0x7FFFF;
	_ =	strace $0x90000046  }
0xbb: {  	s29 =	simm.s32 $0x9;
	_ =	strace $0x80000048  }
0xbc: {  	_ =	swait.ge [sflag:s29], $0x1  }
0xbd: {  	[sflag:s29] =	ssyncadd.s32 $0xFFFFFFFF  }
0xbe: {  	_ =	strace $0x90000048  }
0xbf: {  	_ =	sfence  }
0xc0: {  	s30 =	sld [smem:$0x0];
	_ =	sdelay $0x2  }
0xc1: {  	s31 =	sshll.u32 s1, $0xD;
	s1 =	sshrl.u32 s1, $0x2  }
0xc2: {  	s3 =	sand.u32 $0x4000, s31;
	s1 =	sadd.s32 s1, s30  }
0xc3: {  	s0 =	sor.u32 s3, s0;
	s1 =	sshll.u32 s1, $0x11  }
0xc4: {  	s0 =	sor.u32 s1, s0  }
0xc5: {  	s0 =	sadd.s32 $0x8F2B, s0  }
0xc6: {  	[sflag:s0] =	ssyncadd.remote.s32 $0x1  }
0xc7: {  	_ =	sfence.sel $0xFFFF  }
0xc8: {  	[dreg:$0x0] =	wrdreg $0xFFFFFFFF;
	(pc) =	sbr.abs _section_cstart, $3  }
0xc9: {  	[dreg:$0x1] =	wrdreg $0xFFFFFFFF  }
0xca: {  	_ =	task.clear_ibuf [dreg:s9], $0x2FFFF;
	_ =	strace $0x9FFFFFFF  }
0xcb: {  	(tm) =	ssettm $0x7FFFFFFF  }
tec
execute0_lowered:
.L_overlay_start_1:
0x0: {  	(tag) =	ssettag $0x1  }
0x1: {  	s0 =	rddreg [dreg:$0x0]  }
0x2: {  	s1 =	rddreg [dreg:$0x1]  }
0x3: {  	s2 =	rddreg [dreg:$0x3]  }
0x4: {  	s3 =	srdreg.scid;
	s5 =	stileid.u32;
	v0 =	vlaneseq.u32;
	s9 =	simm.s32 $0x2  }
0x5: {  	v1 =	vimm.s32 $0x0;
	vm0 =	vcmask $0x300;
	s10 =	simm.s32 $0x80;
	s17 =	simm.s32 $0x400;
	s18 =	simm.s32 $0x1;
	v0 =	vmul.u32 $0x208, v0  }
0x6: {  	s19 =	simm.s32 $0x4420;
	s20 =	simm.s32 $0x0;
	s4 =	sand.u32 $0x1, s3;
	v1 =	vsel vm0, $0x3, v1  }
0x7: {  	s3 =	simm.s32 $0x0;
	s5 =	sshll.u32 s5, $0x7;
	s6 =	sshll.u32 s4, $0x6;
	v2 =	vadd.s32 $0x2080, v0;
	v3 =	vor.u32 $0x1, v0;
	v4 =	vadd.s32 $0x2081, v0  }
0x8: {  	[smem:$0x7FF] =	sst s3;
	s30 =	ssub.s32 $0x2, s4;
	s4 =	sadd.s32 $0x188A00, s1;
	v5 =	vor.u32 $0x2, v0;
	v6 =	vadd.s32 $0x2082, v0;
	v7 =	vor.u32 $0x3, v0  }
0x9: {  	s7 =	sor.u32 s6, s5;
	_ =	strace $0x80000047;
	s8 =	sshrl.u32 s30, $0x1;
	v8 =	vadd.s32 $0x2083, v0;
	v9 =	vor.u32 $0x4, v0;
	v10 =	vadd.s32 $0x2084, v0  }
0xa: {  	v11 =	vor.u32 $0x5, v0;
	v12 =	vadd.s32 $0x2085, v0;
	v13 =	vor.u32 $0x6, v0;
	s6 =	sadd.s32 s7, s1;
	s31 =	ssub.s32 s30, s8;
	s5 =	sadd.s32 s0, s7  }
0xb: {  	v14 =	vadd.s32 $0x2086, v0;
	v15 =	vor.u32 $0x7, v0;
	v16 =	vadd.s32 $0x2087, v0;
	s7 =	sadd.s32 s2, s7;
	s6 =	sadd.s32 $0x1800, s6;
	s8 =	smax.u32 s31, $0x1  }
.LBB2_1:
0xc: {  	[tilespmem:s3], [sflag:$0x2] =	stream.linear.gather [hbm4b:s5+s3], $0x200, $0x38;
	[tilespmem:$0x8520] =	vst v63  }
0xd: {  	_ =	swait.ge [sflag:s9], $0x200  }
0xe: {  	[sflag:s9] =	ssyncset.done $0x0  }
0xf: {  	s0 =	simm.s32 $0x420;
	[sflag:s9] =	ssyncadd.s32 $0xFFFFFE00  }
0x10: {  	[tilespmem:s0], [sflag:$0x1] =	stream.indirect.gather [hbm4b:s4+s10], $0x20, s3, s10, $0xb8;
	[tilespmem:$0x8520] =	vst v63  }
0x11: {  	s24 =	simm.s32 $0x1420  }
0x12: {  	[tilespmem:s24], [sflag:$0x1] =	stream.indirect.gather [hbm4b:s4+s10], $0x20, s10, s10, $0xb8;
	[tilespmem:$0x8520] =	vst v63  }
0x13: {  	s25 =	simm.s32 $0x100;
	s1 =	simm.s32 $0x2420  }
0x14: {  	[tilespmem:s1], [sflag:$0x1] =	stream.indirect.gather [hbm4b:s4+s10], $0x20, s25, s10, $0xb8;
	[tilespmem:$0x8520] =	vst v63  }
0x15: {  	s26 =	simm.s32 $0x180;
	s28 =	simm.s32 $0x3420  }
0x16: {  	[tilespmem:s28], [sflag:$0x1] =	stream.indirect.gather [hbm4b:s4+s10], $0x20, s26, s10, $0xb8;
	[tilespmem:$0x8520] =	vst v63  }
0x17: {  	s21 =	simm.s32 $0x200  }
0x18: {  	[tilespmem:s21], [sflag:$0x2] =	stream.linear.gather [hbm4b:s6+s3], $0x200, $0x38;
	[tilespmem:$0x8520] =	vst v63  }
0x19: {  	_ =	swait.ge [sflag:s9], $0x200  }
0x1a: {  	[sflag:s9] =	ssyncset.done $0x0  }
0x1b: {  	[sflag:s9] =	ssyncadd.s32 $0xFFFFFE00  }
0x1c: {  	s29 =	rddreg [dreg:$0x2]  }
0x1d: {  	[tilespmem:s17], [sflag:$0x2] =	stream.linear.gather [hbm4b:s29+s3], $0x20, $0x38;
	[tilespmem:$0x8520] =	vst v63  }
0x1e: {  	_ =	swait.ge [sflag:s9], $0x20  }
0x1f: {  	[sflag:s9] =	ssyncset.done $0x0  }
0x20: {  	[sflag:s9] =	ssyncadd.s32 $0xFFFFFFE0  }
0x21: {  	v17 =	vld [tilespmem:$0x400]  }
0x22: {  	v18 =	vld [tilespmem:$0x410];
	_ =	swait.ge [sflag:s18], $0x1000  }
0x23: {  	[sflag:s18] =	ssyncset.done $0x0  }
0x24: {  	[sflag:s18] =	ssyncadd.s32 $0xFFFFF000  }
0x25: {  	_ =	swait.ge [sflag:s18], $0x1000  }
0x26: {  	[sflag:s18] =	ssyncset.done $0x0  }
0x27: {  	[sflag:s18] =	ssyncadd.s32 $0xFFFFF000  }
0x28: {  	_ =	swait.ge [sflag:s18], $0x1000  }
0x29: {  	[sflag:s18] =	ssyncset.done $0x0  }
0x2a: {  	[sflag:s18] =	ssyncadd.s32 $0xFFFFF000  }
0x2b: {  	_ =	swait.ge [sflag:s18], $0x1000  }
0x2c: {  	[sflag:s18] =	ssyncset.done $0x0  }
0x2d: {  	[sflag:s18] =	ssyncadd.s32 $0xFFFFF000  }
0x2e: {  	v19 =	vld [tilespmem:s21+$0x0];
	_ =	sdelay $0x4  }
0x2f: {  	(v2sf) =	vpush v19, $0x0;
	_ =	sdelay $0x6  }
0x30: {  	s30 =	simm.s32 $0x0  }
0x31: {  	v20 =	vmov s30;
	(v2sf) =	vpush v19, $0x1  }
0x32: {  	v20 =	vshrl.u32 v20, $0x3  }
0x33: {  	v20 =	vshll.u32 v20, v1  }
0x34: {  	s22 =	simm.s32 $0x520;
	v20 =	vbroadcast v20, $0x0  }
0x35: {  	v21 =	vld [tilespmem:s22+$0xFFFFFF00]  }
0x36: {  	v23 =	vadd.s32 v0, v20;
	v22 =	vld [tilespmem:s22+$0xFFFFFF10]  }
0x37: {  	v20 =	vadd.s32 v2, v20  }
0x38: {  	s31 =	simm.s32 $0x1;
	s2 =	spop (v2sf)  }
0x39: {  	v24 =	vmov s31;
	(v2sf) =	vpush v19, $0x2;
	p0 =	seq.s32 s2, $0x0  }
0x3a: {  	v24 =	vshrl.u32 v24, $0x3;
	v21 =	vpsel p0, v17, v21  }
0x3b: {  	v22 =	vpsel p0, v18, v22;
	[tilespmem:v23+s19+$0x0] =	vst.idx.msk $0xffff, v21;
	v21 =	vshll.u32 v24, v1  }
0x3c: {  	[tilespmem:v20+s19+$0x0] =	vst.idx.msk $0xffff, v22;
	v20 =	vbroadcast v21, $0x0  }
0x3d: {  	v21 =	vld [tilespmem:s22+$0xFFFFFF20]  }
0x3e: {  	v22 =	vld [tilespmem:s22+$0xFFFFFF30];
	v23 =	vadd.s32 v3, v20  }
0x3f: {  	v20 =	vadd.s32 v4, v20  }
0x40: {  	s12 =	simm.s32 $0x2;
	s11 =	spop (v2sf)  }
0x41: {  	v52 =	vmov s12;
	(v2sf) =	vpush v19, $0x3;
	p4 =	seq.s32 s11, $0x0  }
0x42: {  	v24 =	vshrl.u32 v52, $0x3;
	v21 =	vpsel p4, v17, v21  }
0x43: {  	v22 =	vpsel p4, v18, v22;
	[tilespmem:v23+s19+$0x0] =	vst.idx.msk $0xffff, v21;
	v21 =	vshll.u32 v24, v1  }
0x44: {  	[tilespmem:v20+s19+$0x0] =	vst.idx.msk $0xffff, v22;
	v20 =	vbroadcast v21, $0x0  }
0x45: {  	v21 =	vld [tilespmem:s22+$0xFFFFFF40]  }
0x46: {  	v22 =	vld [tilespmem:s22+$0xFFFFFF50];
	v23 =	vadd.s32 v5, v20  }
0x47: {  	v20 =	vadd.s32 v6, v20  }
0x48: {  	s14 =	simm.s32 $0x3;
	s13 =	spop (v2sf)  }
0x49: {  	v53 =	vmov s14;
	(v2sf) =	vpush v19, $0x4;
	p5 =	seq.s32 s13, $0x0  }
0x4a: {  	v24 =	vshrl.u32 v53, $0x3;
	v21 =	vpsel p5, v17, v21  }
0x4b: {  	v22 =	vpsel p5, v18, v22;
	[tilespmem:v23+s19+$0x0] =	vst.idx.msk $0xffff, v21;
	v21 =	vshll.u32 v24, v1  }
0x4c: {  	[tilespmem:v20+s19+$0x0] =	vst.idx.msk $0xffff, v22;
	v20 =	vbroadcast v21, $0x0  }
0x4d: {  	v21 =	vld [tilespmem:s22+$0xFFFFFF60]  }
0x4e: {  	v22 =	vld [tilespmem:s22+$0xFFFFFF70];
	v23 =	vadd.s32 v7, v20  }
0x4f: {  	v20 =	vadd.s32 v8, v20  }
0x50: {  	s16 =	simm.s32 $0x4;
	s15 =	spop (v2sf)  }
0x51: {  	v54 =	vmov s16;
	(v2sf) =	vpush v19, $0x5;
	p6 =	seq.s32 s15, $0x0  }
0x52: {  	v24 =	vshrl.u32 v54, $0x3;
	v21 =	vpsel p6, v17, v21  }
0x53: {  	v22 =	vpsel p6, v18, v22;
	[tilespmem:v23+s19+$0x0] =	vst.idx.msk $0xffff, v21;
	v21 =	vshll.u32 v24, v1  }
0x54: {  	[tilespmem:v20+s19+$0x0] =	vst.idx.msk $0xffff, v22;
	v20 =	vbroadcast v21, $0x0  }
0x55: {  	v21 =	vld [tilespmem:s22+$0xFFFFFF80]  }
0x56: {  	v22 =	vld [tilespmem:s22+$0xFFFFFF90];
	v23 =	vadd.s32 v9, v20  }
0x57: {  	v20 =	vadd.s32 v10, v20  }
0x58: {  	s24 =	simm.s32 $0x5;
	s23 =	spop (v2sf)  }
0x59: {  	v55 =	vmov s24;
	(v2sf) =	vpush v19, $0x6;
	p1 =	seq.s32 s23, $0x0  }
0x5a: {  	v24 =	vshrl.u32 v55, $0x3;
	v21 =	vpsel p1, v17, v21  }
0x5b: {  	v22 =	vpsel p1, v18, v22;
	[tilespmem:v23+s19+$0x0] =	vst.idx.msk $0xffff, v21;
	v21 =	vshll.u32 v24, v1  }
0x5c: {  	[tilespmem:v20+s19+$0x0] =	vst.idx.msk $0xffff, v22;
	v20 =	vbroadcast v21, $0x0  }
0x5d: {  	v21 =	vld [tilespmem:s22+$0xFFFFFFA0]  }
0x5e: {  	v22 =	vld [tilespmem:s22+$0xFFFFFFB0];
	v23 =	vadd.s32 v11, v20  }
0x5f: {  	v20 =	vadd.s32 v12, v20  }
0x60: {  	s26 =	simm.s32 $0x6;
	s25 =	spop (v2sf)  }
0x61: {  	v56 =	vmov s26;
	(v2sf) =	vpush v19, $0x7;
	p2 =	seq.s32 s25, $0x0  }
0x62: {  	v24 =	vshrl.u32 v56, $0x3;
	v21 =	vpsel p2, v17, v21  }
0x63: {  	v22 =	vpsel p2, v18, v22;
	[tilespmem:v23+s19+$0x0] =	vst.idx.msk $0xffff, v21;
	v21 =	vshll.u32 v24, v1  }
0x64: {  	[tilespmem:v20+s19+$0x0] =	vst.idx.msk $0xffff, v22;
	v20 =	vbroadcast v21, $0x0  }
0x65: {  	v21 =	vld [tilespmem:s22+$0xFFFFFFC0]  }
0x66: {  	v22 =	vld [tilespmem:s22+$0xFFFFFFD0];
	v23 =	vadd.s32 v13, v20  }
0x67: {  	v20 =	vadd.s32 v14, v20  }
0x68: {  	s29 =	simm.s32 $0x7;
	s28 =	spop (v2sf)  }
0x69: {  	v57 =	vmov s29;
	(v2sf) =	vpush v19, $0x8;
	p3 =	seq.s32 s28, $0x0  }
0x6a: {  	v24 =	vshrl.u32 v57, $0x3;
	v21 =	vpsel p3, v17, v21  }
0x6b: {  	v22 =	vpsel p3, v18, v22;
	[tilespmem:v23+s19+$0x0] =	vst.idx.msk $0xffff, v21;
	v21 =	vshll.u32 v24, v1  }
0x6c: {  	[tilespmem:v20+s19+$0x0] =	vst.idx.msk $0xffff, v22;
	v20 =	vbroadcast v21, $0x0  }
0x6d: {  	v21 =	vld [tilespmem:s22+$0xFFFFFFE0]  }
0x6e: {  	v22 =	vld [tilespmem:s22+$0xFFFFFFF0];
	v23 =	vadd.s32 v15, v20  }
0x6f: {  	v20 =	vadd.s32 v16, v20  }
0x70: {  	s31 =	simm.s32 $0x8;
	s30 =	spop (v2sf)  }
0x71: {  	v58 =	vmov s31;
	(v2sf) =	vpush v19, $0x9;
	p4 =	seq.s32 s30, $0x0  }
0x72: {  	v24 =	vshrl.u32 v58, $0x3;
	v21 =	vpsel p4, v17, v21  }
0x73: {  	v22 =	vpsel p4, v18, v22;
	[tilespmem:v23+s19+$0x0] =	vst.idx.msk $0xffff, v21;
	v21 =	vshll.u32 v24, v1  }
0x74: {  	[tilespmem:v20+s19+$0x0] =	vst.idx.msk $0xffff, v22;
	v20 =	vbroadcast v21, $0x0  }
0x75: {  	v21 =	vld [tilespmem:s22+$0x0]  }
0x76: {  	v22 =	vld [tilespmem:s22+$0x10];
	v23 =	vadd.s32 v0, v20  }
0x77: {  	v20 =	vadd.s32 v2, v20  }
0x78: {  	s11 =	simm.s32 $0x9;
	s2 =	spop (v2sf)  }
0x79: {  	v59 =	vmov s11;
	(v2sf) =	vpush v19, $0xA;
	p5 =	seq.s32 s2, $0x0  }
0x7a: {  	v24 =	vshrl.u32 v59, $0x3;
	v21 =	vpsel p5, v17, v21  }
0x7b: {  	v22 =	vpsel p5, v18, v22;
	[tilespmem:v23+s19+$0x0] =	vst.idx.msk $0xffff, v21;
	v21 =	vshll.u32 v24, v1  }
0x7c: {  	[tilespmem:v20+s19+$0x0] =	vst.idx.msk $0xffff, v22;
	v20 =	vbroadcast v21, $0x0  }
0x7d: {  	v21 =	vld [tilespmem:s22+$0x20]  }
0x7e: {  	v22 =	vld [tilespmem:s22+$0x30];
	v23 =	vadd.s32 v3, v20  }
0x7f: {  	v20 =	vadd.s32 v4, v20  }
0x80: {  	s13 =	simm.s32 $0xA;
	s12 =	spop (v2sf)  }
0x81: {  	v60 =	vmov s13;
	(v2sf) =	vpush v19, $0xB;
	p6 =	seq.s32 s12, $0x0  }
0x82: {  	v24 =	vshrl.u32 v60, $0x3;
	v21 =	vpsel p6, v17, v21  }
0x83: {  	v22 =	vpsel p6, v18, v22;
	[tilespmem:v23+s19+$0x0] =	vst.idx.msk $0xffff, v21;
	v21 =	vshll.u32 v24, v1  }
0x84: {  	[tilespmem:v20+s19+$0x0] =	vst.idx.msk $0xffff, v22;
	v20 =	vbroadcast v21, $0x0  }
0x85: {  	v21 =	vld [tilespmem:s22+$0x40]  }
0x86: {  	v22 =	vld [tilespmem:s22+$0x50];
	v23 =	vadd.s32 v5, v20  }
0x87: {  	v20 =	vadd.s32 v6, v20  }
0x88: {  	s15 =	simm.s32 $0xB;
	s14 =	spop (v2sf)  }
0x89: {  	v61 =	vmov s15;
	(v2sf) =	vpush v19, $0xC;
	p1 =	seq.s32 s14, $0x0  }
0x8a: {  	v24 =	vshrl.u32 v61, $0x3;
	v21 =	vpsel p1, v17, v21  }
0x8b: {  	v22 =	vpsel p1, v18, v22;
	[tilespmem:v23+s19+$0x0] =	vst.idx.msk $0xffff, v21;
	v21 =	vshll.u32 v24, v1  }
0x8c: {  	[tilespmem:v20+s19+$0x0] =	vst.idx.msk $0xffff, v22;
	v20 =	vbroadcast v21, $0x0  }
0x8d: {  	v21 =	vld [tilespmem:s22+$0x60]  }
0x8e: {  	v22 =	vld [tilespmem:s22+$0x70];
	v23 =	vadd.s32 v7, v20  }
0x8f: {  	v20 =	vadd.s32 v8, v20  }
0x90: {  	s23 =	simm.s32 $0xC;
	s16 =	spop (v2sf)  }
0x91: {  	v62 =	vmov s23;
	(v2sf) =	vpush v19, $0xD;
	p2 =	seq.s32 s16, $0x0  }
0x92: {  	v24 =	vshrl.u32 v62, $0x3;
	v21 =	vpsel p2, v17, v21  }
0x93: {  	v22 =	vpsel p2, v18, v22;
	[tilespmem:v23+s19+$0x0] =	vst.idx.msk $0xffff, v21;
	v21 =	vshll.u32 v24, v1  }
0x94: {  	[tilespmem:v20+s19+$0x0] =	vst.idx.msk $0xffff, v22;
	v20 =	vbroadcast v21, $0x0  }
0x95: {  	v21 =	vld [tilespmem:s22+$0x80]  }
0x96: {  	v22 =	vld [tilespmem:s22+$0x90];
	v23 =	vadd.s32 v9, v20  }
0x97: {  	v20 =	vadd.s32 v10, v20  }
0x98: {  	s25 =	simm.s32 $0xD;
	s24 =	spop (v2sf)  }
0x99: {  	v63 =	vmov s25;
	(v2sf) =	vpush v19, $0xE;
	p3 =	seq.s32 s24, $0x0  }
0x9a: {  	v24 =	vshrl.u32 v63, $0x3;
	v21 =	vpsel p3, v17, v21  }
0x9b: {  	[tilespmem:v23+s19+$0x0] =	vst.idx.msk $0xffff, v21;
	v21 =	vpsel p3, v18, v22;
	v22 =	vshll.u32 v24, v1  }
0x9c: {  	[tilespmem:v20+s19+$0x0] =	vst.idx.msk $0xffff, v21;
	v20 =	vbroadcast v22, $0x0  }
0x9d: {  	v21 =	vld [tilespmem:s22+$0xA0]  }
0x9e: {  	v22 =	vld [tilespmem:s22+$0xB0];
	v23 =	vadd.s32 v11, v20  }
0x9f: {  	v20 =	vadd.s32 v12, v20  }
0xa0: {  	s28 =	simm.s32 $0xE;
	s26 =	spop (v2sf)  }
0xa1: {  	(v2sf) =	vpush v19, $0xF;
	v19 =	vmov s28;
	p4 =	seq.s32 s26, $0x0  }
0xa2: {  	v19 =	vshrl.u32 v19, $0x3;
	v21 =	vpsel p4, v17, v21  }
0xa3: {  	v19 =	vshll.u32 v19, v1;
	v22 =	vpsel p4, v18, v22;
	[tilespmem:v23+s19+$0x0] =	vst.idx.msk $0xffff, v21  }
0xa4: {  	v19 =	vbroadcast v19, $0x0;
	[tilespmem:v20+s19+$0x0] =	vst.idx.msk $0xffff, v22  }
0xa5: {  	v20 =	vld [tilespmem:s22+$0xC0]  }
0xa6: {  	v22 =	vadd.s32 v13, v19;
	v21 =	vld [tilespmem:s22+$0xD0]  }
0xa7: {  	v19 =	vadd.s32 v14, v19  }
0xa8: {  	s29 =	simm.s32 $0xF;
	s30 =	spop (v2sf)  }
0xa9: {  	p5 =	seq.s32 s30, $0x0;
	v23 =	vmov s29  }
0xaa: {  	v23 =	vshrl.u32 v23, $0x3;
	v20 =	vpsel p5, v17, v20  }
0xab: {  	v21 =	vpsel p5, v18, v21;
	[tilespmem:v22+s19+$0x0] =	vst.idx.msk $0xffff, v20;
	v20 =	vshll.u32 v23, v1  }
0xac: {  	[tilespmem:v19+s19+$0x0] =	vst.idx.msk $0xffff, v21;
	v19 =	vbroadcast v20, $0x0  }
0xad: {  	v20 =	vld [tilespmem:s22+$0xE0]  }
0xae: {  	v21 =	vld [tilespmem:s22+$0xF0];
	v22 =	vadd.s32 v15, v19  }
0xaf: {  	v19 =	vadd.s32 v16, v19  }
0xb0: {  	s31 =	spop (v2sf)  }
0xb1: {  	p6 =	seq.s32 s31, $0x0  }
0xb2: {  	v23 =	vpsel p6, v17, v20  }
0xb3: {  	s23 =	simm.s32 $0x1F;
	v20 =	vpsel p6, v18, v21;
	[tilespmem:v22+s19+$0x0] =	vst.idx.msk $0xffff, v23  }
.LBB2_2:
0xb4: {  	p0 =	sne.s32 s23, $0x1FF;
	[tilespmem:v19+s19+$0x0] =	vst.idx.msk $0xffff, v20;
	s21 =	sadd.s32 $0x10, s21;
	s22 =	sadd.s32 $0x200, s22  }
0xb5: {  	s24 =	smov.u32 s23;
	s23 =	sadd.s32 $0x10, s23;
	v19 =	vld [tilespmem:s21+$0x0];
	_ =	sdelay $0x4  }
0xb6: {  	(v2sf) =	vpush v19, $0x0  }
0xb7: {  	(v2sf) =	vpush v19, $0x1  }
0xb8: {  	(v2sf) =	vpush v19, $0x2  }
0xb9: {  	(v2sf) =	vpush v19, $0x3  }
0xba: {  	(v2sf) =	vpush v19, $0x4  }
0xbb: {  	(v2sf) =	vpush v19, $0x5  }
0xbc: {  	(v2sf) =	vpush v19, $0x6  }
0xbd: {  	s0 =	sadd.s32 $0xFFFFFFF1, s24;
	(v2sf) =	vpush v19, $0x7  }
0xbe: {  	v20 =	vmov s0;
	(v2sf) =	vpush v19, $0x8  }
0xbf: {  	v20 =	vshrl.u32 v20, $0x3;
	(v2sf) =	vpush v19, $0x9  }
0xc0: {  	v20 =	vshll.u32 v20, v1;
	(v2sf) =	vpush v19, $0xA  }
0xc1: {  	v20 =	vbroadcast v20, $0x0;
	(v2sf) =	vpush v19, $0xB  }
0xc2: {  	v21 =	vld [tilespmem:s22+$0xFFFFFF00];
	(v2sf) =	vpush v19, $0xC  }
0xc3: {  	v23 =	vadd.s32 v0, v20;
	v22 =	vld [tilespmem:s22+$0xFFFFFF10];
	(v2sf) =	vpush v19, $0xD  }
0xc4: {  	v20 =	vadd.s32 v2, v20;
	(v2sf) =	vpush v19, $0xE  }
0xc5: {  	s0 =	sadd.s32 $0xFFFFFFF2, s24;
	s1 =	spop (v2sf);
	(v2sf) =	vpush v19, $0xF  }
0xc6: {  	v19 =	vmov s0;
	p1 =	seq.s32 s1, $0x0;
	s0 =	spop (v2sf)  }
0xc7: {  	v19 =	vshrl.u32 v19, $0x3;
	v21 =	vpsel p1, v17, v21;
	s15 =	spop (v2sf)  }
0xc8: {  	v19 =	vshll.u32 v19, v1;
	v22 =	vpsel p1, v18, v22;
	[tilespmem:v23+s19+$0x0] =	vst.idx.msk $0xffff, v21;
	s14 =	spop (v2sf)  }
0xc9: {  	v19 =	vbroadcast v19, $0x0;
	[tilespmem:v20+s19+$0x0] =	vst.idx.msk $0xffff, v22;
	s13 =	spop (v2sf)  }
0xca: {  	v20 =	vld [tilespmem:s22+$0xFFFFFF20];
	s12 =	spop (v2sf)  }
0xcb: {  	v22 =	vadd.s32 v3, v19;
	v21 =	vld [tilespmem:s22+$0xFFFFFF30];
	s11 =	spop (v2sf)  }
0xcc: {  	v19 =	vadd.s32 v4, v19;
	s2 =	spop (v2sf)  }
0xcd: {  	s25 =	sadd.s32 $0xFFFFFFF3, s24;
	s1 =	spop (v2sf)  }
0xce: {  	p1 =	seq.s32 s0, $0x0;
	v23 =	vmov s25;
	s0 =	spop (v2sf)  }
0xcf: {  	v23 =	vshrl.u32 v23, $0x3;
	v20 =	vpsel p1, v17, v20;
	s31 =	spop (v2sf)  }
0xd0: {  	v21 =	vpsel p1, v18, v21;
	[tilespmem:v22+s19+$0x0] =	vst.idx.msk $0xffff, v20;
	v20 =	vshll.u32 v23, v1;
	s30 =	spop (v2sf)  }
0xd1: {  	[tilespmem:v19+s19+$0x0] =	vst.idx.msk $0xffff, v21;
	v19 =	vbroadcast v20, $0x0;
	s29 =	spop (v2sf)  }
0xd2: {  	v20 =	vld [tilespmem:s22+$0xFFFFFF40];
	s28 =	spop (v2sf)  }
0xd3: {  	v21 =	vld [tilespmem:s22+$0xFFFFFF50];
	v22 =	vadd.s32 v5, v19;
	s26 =	spop (v2sf)  }
0xd4: {  	v19 =	vadd.s32 v6, v19;
	s25 =	spop (v2sf)  }
0xd5: {  	s16 =	sadd.s32 $0xFFFFFFF4, s24  }
0xd6: {  	p1 =	seq.s32 s15, $0x0;
	v23 =	vmov s16  }
0xd7: {  	v23 =	vshrl.u32 v23, $0x3;
	v20 =	vpsel p1, v17, v20  }
0xd8: {  	v21 =	vpsel p1, v18, v21;
	[tilespmem:v22+s19+$0x0] =	vst.idx.msk $0xffff, v20;
	v20 =	vshll.u32 v23, v1  }
0xd9: {  	[tilespmem:v19+s19+$0x0] =	vst.idx.msk $0xffff, v21;
	v19 =	vbroadcast v20, $0x0  }
0xda: {  	v20 =	vld [tilespmem:s22+$0xFFFFFF60]  }
0xdb: {  	v21 =	vld [tilespmem:s22+$0xFFFFFF70];
	v22 =	vadd.s32 v7, v19  }
0xdc: {  	v19 =	vadd.s32 v8, v19  }
0xdd: {  	s15 =	sadd.s32 $0xFFFFFFF5, s24  }
0xde: {  	p1 =	seq.s32 s14, $0x0;
	v23 =	vmov s15  }
0xdf: {  	v23 =	vshrl.u32 v23, $0x3;
	v20 =	vpsel p1, v17, v20  }
0xe0: {  	v21 =	vpsel p1, v18, v21;
	[tilespmem:v22+s19+$0x0] =	vst.idx.msk $0xffff, v20;
	v20 =	vshll.u32 v23, v1  }
0xe1: {  	[tilespmem:v19+s19+$0x0] =	vst.idx.msk $0xffff, v21;
	v19 =	vbroadcast v20, $0x0  }
0xe2: {  	v20 =	vld [tilespmem:s22+$0xFFFFFF80]  }
0xe3: {  	v21 =	vld [tilespmem:s22+$0xFFFFFF90];
	v22 =	vadd.s32 v9, v19  }
0xe4: {  	v19 =	vadd.s32 v10, v19  }
0xe5: {  	s14 =	sadd.s32 $0xFFFFFFF6, s24  }
0xe6: {  	p1 =	seq.s32 s13, $0x0;
	v23 =	vmov s14  }
0xe7: {  	v23 =	vshrl.u32 v23, $0x3;
	v20 =	vpsel p1, v17, v20  }
0xe8: {  	v21 =	vpsel p1, v18, v21;
	[tilespmem:v22+s19+$0x0] =	vst.idx.msk $0xffff, v20;
	v20 =	vshll.u32 v23, v1  }
0xe9: {  	[tilespmem:v19+s19+$0x0] =	vst.idx.msk $0xffff, v21;
	v19 =	vbroadcast v20, $0x0  }
0xea: {  	v20 =	vld [tilespmem:s22+$0xFFFFFFA0]  }
0xeb: {  	v21 =	vld [tilespmem:s22+$0xFFFFFFB0];
	v22 =	vadd.s32 v11, v19  }
0xec: {  	v19 =	vadd.s32 v12, v19  }
0xed: {  	s13 =	sadd.s32 $0xFFFFFFF7, s24  }
0xee: {  	p1 =	seq.s32 s12, $0x0;
	v23 =	vmov s13  }
0xef: {  	v23 =	vshrl.u32 v23, $0x3;
	v20 =	vpsel p1, v17, v20  }
0xf0: {  	v21 =	vpsel p1, v18, v21;
	[tilespmem:v22+s19+$0x0] =	vst.idx.msk $0xffff, v20;
	v20 =	vshll.u32 v23, v1  }
0xf1: {  	[tilespmem:v19+s19+$0x0] =	vst.idx.msk $0xffff, v21;
	v19 =	vbroadcast v20, $0x0  }
0xf2: {  	v20 =	vld [tilespmem:s22+$0xFFFFFFC0]  }
0xf3: {  	v21 =	vld [tilespmem:s22+$0xFFFFFFD0];
	v22 =	vadd.s32 v13, v19  }
0xf4: {  	v19 =	vadd.s32 v14, v19  }
0xf5: {  	s12 =	sadd.s32 $0xFFFFFFF8, s24  }
0xf6: {  	p1 =	seq.s32 s11, $0x0;
	v23 =	vmov s12  }
0xf7: {  	v23 =	vshrl.u32 v23, $0x3;
	v20 =	vpsel p1, v17, v20  }
0xf8: {  	v21 =	vpsel p1, v18, v21;
	[tilespmem:v22+s19+$0x0] =	vst.idx.msk $0xffff, v20;
	v20 =	vshll.u32 v23, v1  }
0xf9: {  	[tilespmem:v19+s19+$0x0] =	vst.idx.msk $0xffff, v21;
	v19 =	vbroadcast v20, $0x0  }
0xfa: {  	v20 =	vld [tilespmem:s22+$0xFFFFFFE0]  }
0xfb: {  	v21 =	vld [tilespmem:s22+$0xFFFFFFF0];
	v22 =	vadd.s32 v15, v19  }
0xfc: {  	v19 =	vadd.s32 v16, v19  }
0xfd: {  	s11 =	sadd.s32 $0xFFFFFFF9, s24  }
0xfe: {  	p1 =	seq.s32 s2, $0x0;
	v23 =	vmov s11  }
0xff: {  	v23 =	vshrl.u32 v23, $0x3;
	v20 =	vpsel p1, v17, v20  }
0x100: {  	v21 =	vpsel p1, v18, v21;
	[tilespmem:v22+s19+$0x0] =	vst.idx.msk $0xffff, v20;
	v20 =	vshll.u32 v23, v1  }
0x101: {  	[tilespmem:v19+s19+$0x0] =	vst.idx.msk $0xffff, v21;
	v19 =	vbroadcast v20, $0x0  }
0x102: {  	v20 =	vld [tilespmem:s22+$0x0]  }
0x103: {  	v21 =	vld [tilespmem:s22+$0x10];
	v22 =	vadd.s32 v0, v19  }
0x104: {  	v19 =	vadd.s32 v2, v19  }
0x105: {  	s2 =	sadd.s32 $0xFFFFFFFA, s24  }
0x106: {  	p1 =	seq.s32 s1, $0x0;
	v23 =	vmov s2  }
0x107: {  	v23 =	vshrl.u32 v23, $0x3;
	v20 =	vpsel p1, v17, v20  }
0x108: {  	v21 =	vpsel p1, v18, v21;
	[tilespmem:v22+s19+$0x0] =	vst.idx.msk $0xffff, v20;
	v20 =	vshll.u32 v23, v1  }
0x109: {  	[tilespmem:v19+s19+$0x0] =	vst.idx.msk $0xffff, v21;
	v19 =	vbroadcast v20, $0x0  }
0x10a: {  	v20 =	vld [tilespmem:s22+$0x20]  }
0x10b: {  	v21 =	vld [tilespmem:s22+$0x30];
	v22 =	vadd.s32 v3, v19  }
0x10c: {  	v19 =	vadd.s32 v4, v19  }
0x10d: {  	s1 =	sadd.s32 $0xFFFFFFFB, s24  }
0x10e: {  	p1 =	seq.s32 s0, $0x0;
	v23 =	vmov s1  }
0x10f: {  	v23 =	vshrl.u32 v23, $0x3;
	v20 =	vpsel p1, v17, v20  }
0x110: {  	v21 =	vpsel p1, v18, v21;
	[tilespmem:v22+s19+$0x0] =	vst.idx.msk $0xffff, v20;
	v20 =	vshll.u32 v23, v1  }
0x111: {  	[tilespmem:v19+s19+$0x0] =	vst.idx.msk $0xffff, v21;
	v19 =	vbroadcast v20, $0x0  }
0x112: {  	v20 =	vld [tilespmem:s22+$0x40]  }
0x113: {  	v21 =	vld [tilespmem:s22+$0x50];
	v22 =	vadd.s32 v5, v19  }
0x114: {  	v19 =	vadd.s32 v6, v19  }
0x115: {  	s0 =	sadd.s32 $0xFFFFFFFC, s24  }
0x116: {  	p1 =	seq.s32 s31, $0x0;
	v23 =	vmov s0  }
0x117: {  	v23 =	vshrl.u32 v23, $0x3;
	v20 =	vpsel p1, v17, v20  }
0x118: {  	v21 =	vpsel p1, v18, v21;
	[tilespmem:v22+s19+$0x0] =	vst.idx.msk $0xffff, v20;
	v20 =	vshll.u32 v23, v1  }
0x119: {  	[tilespmem:v19+s19+$0x0] =	vst.idx.msk $0xffff, v21;
	v19 =	vbroadcast v20, $0x0  }
0x11a: {  	v20 =	vld [tilespmem:s22+$0x60]  }
0x11b: {  	v21 =	vld [tilespmem:s22+$0x70];
	v22 =	vadd.s32 v7, v19  }
0x11c: {  	v19 =	vadd.s32 v8, v19  }
0x11d: {  	s0 =	sadd.s32 $0xFFFFFFFD, s24  }
0x11e: {  	p1 =	seq.s32 s30, $0x0;
	v23 =	vmov s0  }
0x11f: {  	v23 =	vshrl.u32 v23, $0x3;
	v20 =	vpsel p1, v17, v20  }
0x120: {  	v21 =	vpsel p1, v18, v21;
	[tilespmem:v22+s19+$0x0] =	vst.idx.msk $0xffff, v20;
	v20 =	vshll.u32 v23, v1  }
0x121: {  	[tilespmem:v19+s19+$0x0] =	vst.idx.msk $0xffff, v21;
	v19 =	vbroadcast v20, $0x0  }
0x122: {  	v20 =	vld [tilespmem:s22+$0x80]  }
0x123: {  	v21 =	vld [tilespmem:s22+$0x90];
	v22 =	vadd.s32 v9, v19  }
0x124: {  	v19 =	vadd.s32 v10, v19  }
0x125: {  	s0 =	sadd.s32 $0xFFFFFFFE, s24  }
0x126: {  	p1 =	seq.s32 s29, $0x0;
	v23 =	vmov s0  }
0x127: {  	v23 =	vshrl.u32 v23, $0x3;
	v20 =	vpsel p1, v17, v20  }
0x128: {  	v21 =	vpsel p1, v18, v21;
	[tilespmem:v22+s19+$0x0] =	vst.idx.msk $0xffff, v20;
	v20 =	vshll.u32 v23, v1  }
0x129: {  	[tilespmem:v19+s19+$0x0] =	vst.idx.msk $0xffff, v21;
	v19 =	vbroadcast v20, $0x0  }
0x12a: {  	v20 =	vld [tilespmem:s22+$0xA0]  }
0x12b: {  	v21 =	vld [tilespmem:s22+$0xB0];
	v22 =	vadd.s32 v11, v19  }
0x12c: {  	v19 =	vadd.s32 v12, v19  }
0x12d: {  	s0 =	sadd.s32 $0xFFFFFFFF, s24  }
0x12e: {  	p1 =	seq.s32 s28, $0x0;
	v23 =	vmov s0  }
0x12f: {  	v23 =	vshrl.u32 v23, $0x3;
	v20 =	vpsel p1, v17, v20  }
0x130: {  	v21 =	vpsel p1, v18, v21;
	[tilespmem:v22+s19+$0x0] =	vst.idx.msk $0xffff, v20;
	v20 =	vshll.u32 v23, v1  }
0x131: {  	[tilespmem:v19+s19+$0x0] =	vst.idx.msk $0xffff, v21;
	v19 =	vbroadcast v20, $0x0  }
0x132: {  	v20 =	vld [tilespmem:s22+$0xC0]  }
0x133: {  	v21 =	vld [tilespmem:s22+$0xD0];
	v22 =	vadd.s32 v13, v19  }
0x134: {  	v19 =	vadd.s32 v14, v19;
	_ =	sdelay $0x1  }
0x135: {  	p1 =	seq.s32 s26, $0x0;
	v23 =	vmov s24  }
0x136: {  	v23 =	vshrl.u32 v23, $0x3;
	v20 =	vpsel p1, v17, v20  }
0x137: {  	v21 =	vpsel p1, v18, v21;
	[tilespmem:v22+s19+$0x0] =	vst.idx.msk $0xffff, v20;
	v20 =	vshll.u32 v23, v1  }
0x138: {  	[tilespmem:v19+s19+$0x0] =	vst.idx.msk $0xffff, v21;
	v19 =	vbroadcast v20, $0x0  }
0x139: {  	v20 =	vld [tilespmem:s22+$0xE0]  }
0x13a: {  	v21 =	vld [tilespmem:s22+$0xF0];
	v22 =	vadd.s32 v15, v19  }
.Ltmp0:
0x13b: {  	v19 =	vadd.s32 v16, v19;
	(pc) =	sbr.rel @p0 .LBB2_2-.Ltmp0, $4  }
0x13c: {  	_ = 	snop  }
0x13d: {  	p1 =	seq.s32 s25, $0x0  }
0x13e: {  	v23 =	vpsel p1, v17, v20  }
0x13f: {  	v20 =	vpsel p1, v18, v21;
	[tilespmem:v22+s19+$0x0] =	vst.idx.msk $0xffff, v23  }
0x140: {  	_ =	sdelay $0x2  }
0x141: {  	s0 =	simm.s32 $0x4420  }
0x142: {  	[tilespmem:v19+s19+$0x0] =	vst.idx.msk $0xffff, v20;
	s1 =	simm.s32 $0x800;
	s11 =	sadd.s32 $0x0, s7;
	s2 =	simm.s32 $0x4628  }
.LBB2_4:
0x143: {  	[hbm4b:s11+s3] =	stream.linear.scatter [tilespmem:s0], [sflag:$0x2], $0x200, $0x38;
	[tilespmem:$0x8520] =	vst v63  }
0x144: {  	s11 =	smov.u32 s1;
	s0 =	smov.u32 s2;
	p0 =	sne.s32 s1, $0xF800  }
.Ltmp1:
0x145: {  	s1 =	sadd.s32 $0x800, s1;
	(pc) =	sbr.rel @p0 .LBB2_4-.Ltmp1, $2  }
0x146: {  	_ =	sdelay $0x2  }
0x147: {  	s2 =	sadd.s32 $0x208, s2;
	s11 =	sadd.s32 s11, s7  }
0x148: {  	s20 =	sadd.s32 $0x1, s20  }
0x149: {  	p0 =	sne.s32 s20, s8  }
.Ltmp2:
0x14a: {  	_ = 	snop;
	(pc) =	sbr.rel @p0 .LBB2_1-.Ltmp2, $4  }
0x14b: {  	[hbm4b:s11+s3] =	stream.linear.scatter [tilespmem:s0], [sflag:$0x2], $0x200, $0x38;
	[tilespmem:$0x8520] =	vst v63  }
0x14c: {  	_ =	swait.ge [sflag:s9], $0x4000  }
0x14d: {  	[sflag:s9] =	ssyncset.done $0x0  }
0x14e: {  	[sflag:s9] =	ssyncadd.s32 $0xFFFFC000  }
0x14f: {  	_ =	sfence.sel $0x180000  }
0x150: {  	[bflag:$0x0] =	sbarrier.arrive $0xFFFF  }
0x151: {  	_ =	strace $0x90000047  }
0x152: {  	s0 =	stileid.u32;
	[bflag:$0x2] =	sbarrier.arrive $0xFFFF  }
0x153: {  	p0 =	sne.s32 s0, $0x0;
	s0 =	rddreg [dreg:$0x4]  }
0x154: {  	s0 =	sadd.s32 @!p0 $0x100000, s0  }
0x155: {  	[sflag:s0] =	ssyncadd.tile.s32 @!p0 $0x1;
	_ =	shalt  }
.Lfunc_end2:
_tile_overlayer_lowered:
.L_overlay_start_2:
0x156: {  	(tag) =	ssettag $0x2  }
0x157: {  	s0 =	rddreg [dreg:$0x0];
	s2 =	stileid.u32  }
0x158: {  	s1 =	rddreg [dreg:$0x1];
	p0 =	sne.s32 s2, $0x0  }
0x159: {  	s3 =	rddreg [dreg:$0x2];
	[bflag:$0x3] =	sbarrier.arrive $0xFFFF;
	s2 =	simm.s32 @!p0 $0x1C02  }
0x15a: {  	[timem:s3], [sflag:s2] =	dma.local @!p0 [hbm:s0], s1  }
0x15b: {  	s0 =	simm.s32 @!p0 $0x2  }
0x15c: {  	_ =	swait.ge @!p0 [sflag:s0], s1  }
0x15d: {  	s1 =	ssub.s32 @!p0 $0x0, s1;
	[sflag:s0] =	ssyncset.done @!p0 $0x0  }
0x15e: {  	[sflag:s0] =	ssyncadd.s32 @!p0 s1  }
0x15f: {  	[bflag:$0x3] =	sbarrier.arrive $0xFFFF  }
0x160: {  	_ =	shalt  }

// kernel: kernel.7.cloned.1.call-start
scs
__scs_entry_jumppad:
0x0: {  	(pc) =	sbr.rel $0x88, $3  }
0x1: {  	(tag) =	ssettag $0x0;
	lr =	simm.s32 $0x1  }
0x2: {  	[smem:$0x3F9B] =	sst lr;
	_ =	strace $0xD0000000  }
0x3: {  	_ = 	snop  }
0x4: {  	_ = 	snop  }
0x5: {  	_ = 	snop  }
0x6: {  	_ = 	snop  }
0x7: {  	_ = 	snop  }
__scs_overlays_trampoline_lowered:
0x8: {  	[smem:$0x3FAA] =	sst s0  }
0x9: {  	[smem:$0x3FAB] =	sst s1  }
0xa: {  	[smem:$0x3FAC] =	sst s2  }
0xb: {  	[smem:$0x3FAD] =	sst s3  }
0xc: {  	[smem:$0x3FAE] =	sst s4  }
0xd: {  	[smem:$0x3FAF] =	sst s5  }
0xe: {  	[smem:$0x3FB0] =	sst s6  }
0xf: {  	[smem:$0x3FB1] =	sst s7  }
0x10: {  	[smem:$0x3FB2] =	sst s8  }
0x11: {  	[smem:$0x3FB3] =	sst s9;
	s0 =	simm.s32 @!p0 $0x0  }
0x12: {  	s1 =	sld [smem:$0x3F99];
	s0 =	simm.s32 @p0 $0x1  }
0x13: {  	[smem:$0x3FB4] =	sst s0;
	s0 =	simm.s32 @!p1 $0x0  }
0x14: {  	s2 =	sld [smem:$0x3F98];
	s0 =	simm.s32 @p1 $0x1  }
0x15: {  	[smem:$0x3FB5] =	sst s0;
	s0 =	simm.s32 @!p2 $0x0  }
0x16: {  	s3 =	sld [smem:$0x3FDB];
	s0 =	simm.s32 @p2 $0x1  }
0x17: {  	s4 =	simm.s32 $0x1BF5;
	[smem:$0x3FB7] =	sst s0  }
0x18: {  	s0 =	sld [smem:$0x3F9A];
	_ =	swait.ge [sflag:s4], $0x0  }
0x19: {  	s7 =	sld [smem:$0x3F9B]  }
0x1a: {  	s8 =	sadd.s32 $0xFFFFE003, lr  }
0x1b: {  	s9 =	sadd.s32 $0xFFFFFEF7, lr;
	s5 =	simm.s32 $0xFFFFFFFF;
	p2 =	slt.u32 s8, $0xFFFFF086  }
0x1c: {  	p1 =	slt.u32 s9, $0xF7A;
	s5 =	simm.s32 @!p2 $0x0  }
0x1d: {  	s5 =	simm.s32 @p1 $0x1;
	p0 =	seq.s32 s7, s2  }
0x1e: {  	s7 =	smul.u32 @!p0 $0xF7A, s2;
	p2 =	seq.s32 @!p0 s5, $0x0  }
0x1f: {  	s9 =	smul.u32 $0xF7A, s1;
	s8 =	simm.s32 @!p0 $0x1BF5;
	p2 =	por !p2, p0  }
0x20: {  	[sflag:s8] =	ssyncset.s32 @!p0 $0xFFFFF086;
	s6 =	sadd.s32 @!p0 s3, s7;
	s7 =	simm.s32 @!p0 $0x108  }
0x21: {  	s3 =	sadd.s32 s3, s9;
	s6 =	sadd.s32 @!p0 $0x88, s6;
	s7 =	simm.s32 @p2 $0x1082  }
0x22: {  	[simem:s7], [sflag:s8] =	dma.local @!p0 [hbm:s6], $0xF7A  }
0x23: {  	s9 =	sor.u32 $0xD0000000, s2;
	s6 =	simm.s32 $0x108;
	_ =	swait.ge @!p0 [sflag:s8], $0x0  }
0x24: {  	s3 =	sadd.s32 $0x88, s3;
	s6 =	simm.s32 @!p1 $0x1082;
	[sflag:s4] =	ssyncset.s32 $0xFFFFF086  }
0x25: {  	[simem:s6], [sflag:s4] =	dma.local [hbm:s3], $0xF7A  }
0x26: {  	[smem:$0x3F9B] =	sst s1;
	(tag) =	ssettag s2;
	_ =	strace s9  }
0x27: {  	s1 =	sld [smem:$0x3FAB]  }
0x28: {  	s2 =	sld [smem:$0x3FAC]  }
0x29: {  	s4 =	sld [smem:$0x3FAE]  }
0x2a: {  	p0 =	seq.s32 s5, $0x0;
	s5 =	sld [smem:$0x3FAF]  }
0x2b: {  	s6 =	sld [smem:$0x3FB0]  }
0x2c: {  	s7 =	sld [smem:$0x3FB1]  }
0x2d: {  	s3 =	simm.s32 $0x108;
	s8 =	sld [smem:$0x3FB2]  }
0x2e: {  	s3 =	simm.s32 @!p0 $0x1082;
	s9 =	sld [smem:$0x3FB3]  }
0x2f: {  	lr =	sadd.s32 s0, s3;
	s0 =	sld [smem:$0x3FAA]  }
0x30: {  	s3 =	sld [smem:$0x3FAD]  }
0x31: {  	[smem:$0x3FB6] =	sst s10  }
0x32: {  	s10 =	sld [smem:$0x3FB4];
	_ =	sdelay $0x3  }
0x33: {  	p0 =	seq.s32 s10, $0x1;
	s10 =	sld [smem:$0x3FB6];
	_ =	sdelay $0x3  }
0x34: {  	[smem:$0x3FB6] =	sst s10  }
0x35: {  	s10 =	sld [smem:$0x3FB5];
	_ =	sdelay $0x3  }
0x36: {  	p1 =	seq.s32 s10, $0x1;
	s10 =	sld [smem:$0x3FB6];
	_ =	sdelay $0x3  }
0x37: {  	[smem:$0x3FB6] =	sst s10  }
0x38: {  	s10 =	sld [smem:$0x3FB7]  }
0x39: {  	_ = 	snop;
	(pc) =	sbr.ind lr, $3  }
0x3a: {  	_ = 	snop  }
0x3b: {  	_ = 	snop  }
0x3c: {  	p2 =	seq.s32 s10, $0x1;
	s10 =	sld [smem:$0x3FB6]  }
0x3d: {  	_ =	shalt  }
0x3e: {  	_ =	shalt  }
0x3f: {  	_ =	shalt  }
0x40: {  	_ =	shalt  }
0x41: {  	_ =	shalt  }
0x42: {  	_ =	shalt  }
0x43: {  	_ =	shalt  }
0x44: {  	_ =	shalt  }
0x45: {  	_ =	shalt  }
0x46: {  	_ =	shalt  }
0x47: {  	_ =	shalt  }
0x48: {  	_ =	shalt  }
0x49: {  	_ =	shalt  }
0x4a: {  	_ =	shalt  }
0x4b: {  	_ =	shalt  }
0x4c: {  	_ =	shalt  }
0x4d: {  	_ =	shalt  }
0x4e: {  	_ =	shalt  }
0x4f: {  	_ =	shalt  }
0x50: {  	_ =	shalt  }
0x51: {  	_ =	shalt  }
0x52: {  	_ =	shalt  }
0x53: {  	_ =	shalt  }
0x54: {  	_ =	shalt  }
0x55: {  	_ =	shalt  }
0x56: {  	_ =	shalt  }
0x57: {  	_ =	shalt  }
0x58: {  	_ =	shalt  }
0x59: {  	_ =	shalt  }
0x5a: {  	_ =	shalt  }
0x5b: {  	_ =	shalt  }
0x5c: {  	_ =	shalt  }
0x5d: {  	_ =	shalt  }
0x5e: {  	_ =	shalt  }
0x5f: {  	_ =	shalt  }
0x60: {  	_ =	shalt  }
0x61: {  	_ =	shalt  }
0x62: {  	_ =	shalt  }
0x63: {  	_ =	shalt  }
0x64: {  	_ =	shalt  }
0x65: {  	_ =	shalt  }
0x66: {  	_ =	shalt  }
0x67: {  	_ =	shalt  }
0x68: {  	_ =	shalt  }
0x69: {  	_ =	shalt  }
0x6a: {  	_ =	shalt  }
0x6b: {  	_ =	shalt  }
0x6c: {  	_ =	shalt  }
0x6d: {  	_ =	shalt  }
0x6e: {  	_ =	shalt  }
0x6f: {  	_ =	shalt  }
0x70: {  	_ =	shalt  }
0x71: {  	_ =	shalt  }
0x72: {  	_ =	shalt  }
0x73: {  	_ =	shalt  }
0x74: {  	_ =	shalt  }
0x75: {  	_ =	shalt  }
0x76: {  	_ =	shalt  }
0x77: {  	_ =	shalt  }
0x78: {  	_ =	shalt  }
0x79: {  	_ =	shalt  }
0x7a: {  	_ =	shalt  }
0x7b: {  	_ =	shalt  }
0x7c: {  	_ =	shalt  }
0x7d: {  	_ =	shalt  }
0x7e: {  	_ =	shalt  }
0x7f: {  	_ =	shalt  }
0x80: {  	_ =	shalt  }
0x81: {  	_ =	shalt  }
0x82: {  	_ =	shalt  }
0x83: {  	_ =	shalt  }
0x84: {  	_ =	shalt  }
0x85: {  	_ =	shalt  }
0x86: {  	_ =	shalt  }
0x87: {  	_ =	shalt  }
.Lfunc_end0:
.L_simem_size_0:
called_computation.1_lowered:
.L_overlay_start_0:
0x88: {  	s2 =	sld [smem:$0x3FD9]  }
0x89: {  	s3 =	sld [smem:$0x3FFE];
	_ =	sdelay $0x1  }
0x8a: {  	s1 =	srdreg.scid  }
0x8b: {  	s0 =	sand.u32 $0x1, s1  }
0x8c: {  	s17 =	sshll.u32 s0, $0xA;
	s2 =	sadd.s32 s3, s2  }
0x8d: {  	s2 =	sadd.s32 s2, s17  }
0x8e: {  	[smem:$0x3FC2] =	sst s2  }
0x8f: {  	_ = 	snop  }
0x90: {  	s4 =	sld [smem:$0x3FC9]  }
0x91: {  	s18 =	sld [smem:$0x3FC4];
	(tm) =	ssettm $0x1  }
0x92: {  	s19 =	sld [smem:$0x3FFB];
	_ =	sdelay $0x3  }
0x93: {  	_ =	strace s19  }
0x94: {  	s2 =	sld [smem:$0x3FFC];
	_ =	sdelay $0x3  }
0x95: {  	_ =	strace s2  }
0x96: {  	s2 =	sld [smem:$0x3FFD];
	_ =	sdelay $0x3  }
0x97: {  	_ =	strace s2  }
0x98: {  	_ =	strace $0x8FFFFFFF  }
0x99: {  	s20 =	sld [smem:$0x3FDB];
	_ =	sdelay $0x1  }
0x9a: {  	s5 =	simm.s32 $_scs_section_size  }
0x9b: {  	s6 =	simm.s32 $_size__tile_overlayer_lowered;
	s7 =	simm.s32 $_tile_overlayer_lowered  }
0x9c: {  	s8 =	simm.s32 $0x1BFF;
	s21 =	sshll.u32 s7, $0x1;
	s5 =	sadd.s32 s5, s20  }
0x9d: {  	s22 =	simm.s32 $0x0;
	s6 =	sshll.u32 s6, $0x1;
	s7 =	sadd.s32 s21, s5  }
0x9e: {  	[timem:s22], [sflag:s8] =	dma.local [hbm:s7], s6  }
0x9f: {  	_ =	swait.ge [sflag:s8], s6  }
0xa0: {  	s6 =	ssub.s32 $0x0, s6;
	[sflag:s8] =	ssyncset.done $0x0  }
0xa1: {  	[sflag:s8] =	ssyncadd.s32 s6;
	_ =	sdelay $0x1  }
0xa2: {  	s23 =	simm.s32 $0x1B8B  }
0xa3: {  	_ =	swait.ge [sflag:s23], $0x1  }
0xa4: {  	[sflag:s23] =	ssyncset.done $0x0  }
0xa5: {  	[sflag:s23] =	ssyncadd.s32 $0xFFFFFFFF  }
0xa6: {  	s6 =	sld [smem:$0x0]  }
0xa7: {  	s7 =	sand.u32 $0xFFFFFFFE, s1  }
0xa8: {  	p0 =	sne.s32 s1, s7  }
0xa9: {  	s7 =	sshll.u32 @p0 s7, $0xE  }
0xaa: {  	s7 =	sadd.s32 @p0 $0x11B8D, s7;
	s8 =	sshll.u32 @p0 s6, $0x11  }
0xab: {  	s7 =	sor.u32 @p0 s8, s7  }
0xac: {  	[sflag:s7] =	ssyncadd.remote.s32 @p0 $0x1;
	_ =	sdelay $0x1  }
0xad: {  	s7 =	simm.s32 @p0 $0x1B8D  }
0xae: {  	_ =	swait.eq @p0 [sflag:s7], $0x1  }
0xaf: {  	[sflag:s7] =	ssyncadd.s32 @p0 $0xFFFFFFFF  }
0xb0: {  	s8 =	sshll.u32 @!p0 s1, $0xE  }
0xb1: {  	s8 =	sor.u32 @!p0 $0x4000, s8;
	s7 =	simm.s32 @!p0 $0x1B8D  }
0xb2: {  	s6 =	sshll.u32 @!p0 s6, $0x11;
	s8 =	sadd.s32 @!p0 $0x11B8D, s8;
	_ =	swait.eq @!p0 [sflag:s7], $0x1  }
0xb3: {  	s6 =	sor.u32 @!p0 s6, s8;
	[sflag:s7] =	ssyncadd.s32 @!p0 $0xFFFFFFFF  }
0xb4: {  	s25 =	simm.s32 $0x1B8E;
	s24 =	sld [smem:$0x3FFE];
	[sflag:s6] =	ssyncadd.remote.s32 @!p0 $0x1  }
0xb5: {  	s26 =	simm.s32 $execute0_lowered;
	[smem:$0x3FD2] =	sst s25  }
0xb6: {  	s7 =	sshll.u32 s26, $0x1;
	_ =	strace $0x80000049;
	[dreg:$0x1] =	wrdreg $0xFFFFFFFF  }
0xb7: {  	s28 =	simm.s32 $_size_execute0_lowered;
	s5 =	sadd.s32 s5, s7;
	[dreg:$0x0] =	wrdreg $0x0  }
0xb8: {  	s7 =	sshll.u32 s28, $0x1;
	[dreg:$0x2] =	wrdreg s5  }
0xb9: {  	[dreg:$0x3] =	wrdreg s7  }
0xba: {  	[dreg:$0x4] =	wrdreg $0xC0  }
0xbb: {  	_ =	task [dreg:s22], $0x5FFFF  }
0xbc: {  	[dreg:$0x1] =	wrdreg $0xFFFFFFFF  }
0xbd: {  	[dreg:$0x0] =	wrdreg $0x60  }
0xbe: {  	[dreg:$0x2] =	wrdreg s4  }
0xbf: {  	[dreg:$0x3] =	wrdreg s24  }
0xc0: {  	[dreg:$0x4] =	wrdreg s18  }
0xc1: {  	[dreg:$0x5] =	wrdreg $0xA  }
0xc2: {  	_ =	task.clear_ibuf [dreg:s22], $0x6FFFF;
	_ =	strace $0x90000049  }
0xc3: {  	s29 =	simm.s32 $0xA;
	_ =	strace $0x8000004B  }
0xc4: {  	_ =	swait.ge [sflag:s29], $0x1  }
0xc5: {  	[sflag:s29] =	ssyncadd.s32 $0xFFFFFFFF  }
0xc6: {  	_ =	strace $0x9000004B  }
0xc7: {  	_ =	sfence  }
0xc8: {  	s30 =	sld [smem:$0x0];
	_ =	sdelay $0x2  }
0xc9: {  	s31 =	sshll.u32 s1, $0xD;
	s1 =	sshrl.u32 s1, $0x2  }
0xca: {  	s4 =	sand.u32 $0x4000, s31;
	s1 =	sadd.s32 s1, s30  }
0xcb: {  	s0 =	sor.u32 s4, s0;
	s1 =	sshll.u32 s1, $0x11  }
0xcc: {  	s0 =	sor.u32 s1, s0  }
0xcd: {  	s0 =	sadd.s32 $0x8F2B, s0  }
0xce: {  	[sflag:s0] =	ssyncadd.remote.s32 $0x1  }
0xcf: {  	_ =	sfence.sel $0xFFFF  }
0xd0: {  	[dreg:$0x0] =	wrdreg $0xFFFFFFFF;
	(pc) =	sbr.abs _section_cstart, $3  }
0xd1: {  	[dreg:$0x1] =	wrdreg $0xFFFFFFFF  }
0xd2: {  	_ =	task.clear_ibuf [dreg:s22], $0x2FFFF;
	_ =	strace $0x9FFFFFFF  }
0xd3: {  	(tm) =	ssettm $0x7FFFFFFF  }
tec
execute0_lowered:
.L_overlay_start_1:
0x0: {  	(tag) =	ssettag $0x1  }
0x1: {  	s0 =	rddreg [dreg:$0x0]  }
0x2: {  	s1 =	rddreg [dreg:$0x1]  }
0x3: {  	s3 =	simm.s32 $0x0;
	s2 =	srdreg.scid;
	s4 =	stileid.u32;
	v0 =	vlaneseq.u32  }
0x4: {  	v1 =	vimm.s32 $0x0;
	vm0 =	vcmask $0x300;
	s9 =	simm.s32 $0x2;
	s10 =	simm.s32 $0x80;
	s17 =	simm.s32 $0x400;
	v0 =	vmul.u32 $0x208, v0  }
0x5: {  	s18 =	simm.s32 $0x1;
	s19 =	simm.s32 $0x4420;
	s20 =	simm.s32 $0x0;
	v1 =	vsel vm0, $0x3, v1  }
0x6: {  	[smem:$0x7FF] =	sst s3;
	s2 =	sand.u32 $0x1, s2;
	s5 =	sshll.u32 s4, $0x7;
	v2 =	vadd.s32 $0x2080, v0;
	v3 =	vor.u32 $0x1, v0;
	v4 =	vadd.s32 $0x2081, v0  }
0x7: {  	s4 =	sadd.s32 $0x1EA600, s1;
	s6 =	sshll.u32 s2, $0x6;
	s2 =	ssub.s32 $0x2, s2;
	v5 =	vor.u32 $0x2, v0;
	v6 =	vadd.s32 $0x2082, v0;
	v7 =	vor.u32 $0x3, v0  }
0x8: {  	_ =	strace $0x8000004A;
	s5 =	sor.u32 s6, s5;
	s31 =	sshrl.u32 s2, $0x1;
	v8 =	vadd.s32 $0x2083, v0;
	v9 =	vor.u32 $0x4, v0;
	v10 =	vadd.s32 $0x2084, v0  }
0x9: {  	v11 =	vor.u32 $0x5, v0;
	v12 =	vadd.s32 $0x2085, v0;
	v13 =	vor.u32 $0x6, v0;
	s1 =	sadd.s32 s5, s1;
	s2 =	ssub.s32 s2, s31;
	s5 =	sadd.s32 s0, s5  }
0xa: {  	v14 =	vadd.s32 $0x2086, v0;
	v15 =	vor.u32 $0x7, v0;
	v16 =	vadd.s32 $0x2087, v0;
	s6 =	sadd.s32 $0x1800, s1;
	s7 =	sadd.s32 $0x2000, s1;
	s8 =	smax.u32 s2, $0x1  }
.LBB2_1:
0xb: {  	[tilespmem:s3], [sflag:$0x2] =	stream.linear.gather [hbm4b:s5+s3], $0x200, $0x38;
	[tilespmem:$0x8520] =	vst v63  }
0xc: {  	_ =	swait.ge [sflag:s9], $0x200  }
0xd: {  	[sflag:s9] =	ssyncset.done $0x0  }
0xe: {  	s0 =	simm.s32 $0x420;
	[sflag:s9] =	ssyncadd.s32 $0xFFFFFE00  }
0xf: {  	[tilespmem:s0], [sflag:$0x1] =	stream.indirect.gather [hbm4b:s4+s10], $0x20, s3, s10, $0xb8;
	[tilespmem:$0x8520] =	vst v63  }
0x10: {  	s24 =	simm.s32 $0x1420  }
0x11: {  	[tilespmem:s24], [sflag:$0x1] =	stream.indirect.gather [hbm4b:s4+s10], $0x20, s10, s10, $0xb8;
	[tilespmem:$0x8520] =	vst v63  }
0x12: {  	s25 =	simm.s32 $0x100;
	s1 =	simm.s32 $0x2420  }
0x13: {  	[tilespmem:s1], [sflag:$0x1] =	stream.indirect.gather [hbm4b:s4+s10], $0x20, s25, s10, $0xb8;
	[tilespmem:$0x8520] =	vst v63  }
0x14: {  	s26 =	simm.s32 $0x180;
	s28 =	simm.s32 $0x3420  }
0x15: {  	[tilespmem:s28], [sflag:$0x1] =	stream.indirect.gather [hbm4b:s4+s10], $0x20, s26, s10, $0xb8;
	[tilespmem:$0x8520] =	vst v63  }
0x16: {  	s21 =	simm.s32 $0x200  }
0x17: {  	[tilespmem:s21], [sflag:$0x2] =	stream.linear.gather [hbm4b:s6+s3], $0x200, $0x38;
	[tilespmem:$0x8520] =	vst v63  }
0x18: {  	_ =	swait.ge [sflag:s9], $0x200  }
0x19: {  	[sflag:s9] =	ssyncset.done $0x0  }
0x1a: {  	[sflag:s9] =	ssyncadd.s32 $0xFFFFFE00  }
0x1b: {  	s29 =	rddreg [dreg:$0x2]  }
0x1c: {  	[tilespmem:s17], [sflag:$0x2] =	stream.linear.gather [hbm4b:s29+s3], $0x20, $0x38;
	[tilespmem:$0x8520] =	vst v63  }
0x1d: {  	_ =	swait.ge [sflag:s9], $0x20  }
0x1e: {  	[sflag:s9] =	ssyncset.done $0x0  }
0x1f: {  	[sflag:s9] =	ssyncadd.s32 $0xFFFFFFE0  }
0x20: {  	v17 =	vld [tilespmem:$0x400]  }
0x21: {  	v18 =	vld [tilespmem:$0x410];
	_ =	swait.ge [sflag:s18], $0x1000  }
0x22: {  	[sflag:s18] =	ssyncset.done $0x0  }
0x23: {  	[sflag:s18] =	ssyncadd.s32 $0xFFFFF000  }
0x24: {  	_ =	swait.ge [sflag:s18], $0x1000  }
0x25: {  	[sflag:s18] =	ssyncset.done $0x0  }
0x26: {  	[sflag:s18] =	ssyncadd.s32 $0xFFFFF000  }
0x27: {  	_ =	swait.ge [sflag:s18], $0x1000  }
0x28: {  	[sflag:s18] =	ssyncset.done $0x0  }
0x29: {  	[sflag:s18] =	ssyncadd.s32 $0xFFFFF000  }
0x2a: {  	_ =	swait.ge [sflag:s18], $0x1000  }
0x2b: {  	[sflag:s18] =	ssyncset.done $0x0  }
0x2c: {  	[sflag:s18] =	ssyncadd.s32 $0xFFFFF000  }
0x2d: {  	v19 =	vld [tilespmem:s21+$0x0];
	_ =	sdelay $0x4  }
0x2e: {  	(v2sf) =	vpush v19, $0x0;
	_ =	sdelay $0x6  }
0x2f: {  	s30 =	simm.s32 $0x0  }
0x30: {  	v20 =	vmov s30;
	(v2sf) =	vpush v19, $0x1  }
0x31: {  	v20 =	vshrl.u32 v20, $0x3  }
0x32: {  	v20 =	vshll.u32 v20, v1  }
0x33: {  	s22 =	simm.s32 $0x520;
	v20 =	vbroadcast v20, $0x0  }
0x34: {  	v21 =	vld [tilespmem:s22+$0xFFFFFF00]  }
0x35: {  	v23 =	vadd.s32 v0, v20;
	v22 =	vld [tilespmem:s22+$0xFFFFFF10]  }
0x36: {  	v20 =	vadd.s32 v2, v20  }
0x37: {  	s31 =	simm.s32 $0x1;
	s2 =	spop (v2sf)  }
0x38: {  	v24 =	vmov s31;
	(v2sf) =	vpush v19, $0x2;
	p0 =	seq.s32 s2, $0x0  }
0x39: {  	v24 =	vshrl.u32 v24, $0x3;
	v21 =	vpsel p0, v17, v21  }
0x3a: {  	v22 =	vpsel p0, v18, v22;
	[tilespmem:v23+s19+$0x0] =	vst.idx.msk $0xffff, v21;
	v21 =	vshll.u32 v24, v1  }
0x3b: {  	[tilespmem:v20+s19+$0x0] =	vst.idx.msk $0xffff, v22;
	v20 =	vbroadcast v21, $0x0  }
0x3c: {  	v21 =	vld [tilespmem:s22+$0xFFFFFF20]  }
0x3d: {  	v22 =	vld [tilespmem:s22+$0xFFFFFF30];
	v23 =	vadd.s32 v3, v20  }
0x3e: {  	v20 =	vadd.s32 v4, v20  }
0x3f: {  	s12 =	simm.s32 $0x2;
	s11 =	spop (v2sf)  }
0x40: {  	v52 =	vmov s12;
	(v2sf) =	vpush v19, $0x3;
	p4 =	seq.s32 s11, $0x0  }
0x41: {  	v24 =	vshrl.u32 v52, $0x3;
	v21 =	vpsel p4, v17, v21  }
0x42: {  	v22 =	vpsel p4, v18, v22;
	[tilespmem:v23+s19+$0x0] =	vst.idx.msk $0xffff, v21;
	v21 =	vshll.u32 v24, v1  }
0x43: {  	[tilespmem:v20+s19+$0x0] =	vst.idx.msk $0xffff, v22;
	v20 =	vbroadcast v21, $0x0  }
0x44: {  	v21 =	vld [tilespmem:s22+$0xFFFFFF40]  }
0x45: {  	v22 =	vld [tilespmem:s22+$0xFFFFFF50];
	v23 =	vadd.s32 v5, v20  }
0x46: {  	v20 =	vadd.s32 v6, v20  }
0x47: {  	s14 =	simm.s32 $0x3;
	s13 =	spop (v2sf)  }
0x48: {  	v53 =	vmov s14;
	(v2sf) =	vpush v19, $0x4;
	p5 =	seq.s32 s13, $0x0  }
0x49: {  	v24 =	vshrl.u32 v53, $0x3;
	v21 =	vpsel p5, v17, v21  }
0x4a: {  	v22 =	vpsel p5, v18, v22;
	[tilespmem:v23+s19+$0x0] =	vst.idx.msk $0xffff, v21;
	v21 =	vshll.u32 v24, v1  }
0x4b: {  	[tilespmem:v20+s19+$0x0] =	vst.idx.msk $0xffff, v22;
	v20 =	vbroadcast v21, $0x0  }
0x4c: {  	v21 =	vld [tilespmem:s22+$0xFFFFFF60]  }
0x4d: {  	v22 =	vld [tilespmem:s22+$0xFFFFFF70];
	v23 =	vadd.s32 v7, v20  }
0x4e: {  	v20 =	vadd.s32 v8, v20  }
0x4f: {  	s16 =	simm.s32 $0x4;
	s15 =	spop (v2sf)  }
0x50: {  	v54 =	vmov s16;
	(v2sf) =	vpush v19, $0x5;
	p6 =	seq.s32 s15, $0x0  }
0x51: {  	v24 =	vshrl.u32 v54, $0x3;
	v21 =	vpsel p6, v17, v21  }
0x52: {  	v22 =	vpsel p6, v18, v22;
	[tilespmem:v23+s19+$0x0] =	vst.idx.msk $0xffff, v21;
	v21 =	vshll.u32 v24, v1  }
0x53: {  	[tilespmem:v20+s19+$0x0] =	vst.idx.msk $0xffff, v22;
	v20 =	vbroadcast v21, $0x0  }
0x54: {  	v21 =	vld [tilespmem:s22+$0xFFFFFF80]  }
0x55: {  	v22 =	vld [tilespmem:s22+$0xFFFFFF90];
	v23 =	vadd.s32 v9, v20  }
0x56: {  	v20 =	vadd.s32 v10, v20  }
0x57: {  	s24 =	simm.s32 $0x5;
	s23 =	spop (v2sf)  }
0x58: {  	v55 =	vmov s24;
	(v2sf) =	vpush v19, $0x6;
	p1 =	seq.s32 s23, $0x0  }
0x59: {  	v24 =	vshrl.u32 v55, $0x3;
	v21 =	vpsel p1, v17, v21  }
0x5a: {  	v22 =	vpsel p1, v18, v22;
	[tilespmem:v23+s19+$0x0] =	vst.idx.msk $0xffff, v21;
	v21 =	vshll.u32 v24, v1  }
0x5b: {  	[tilespmem:v20+s19+$0x0] =	vst.idx.msk $0xffff, v22;
	v20 =	vbroadcast v21, $0x0  }
0x5c: {  	v21 =	vld [tilespmem:s22+$0xFFFFFFA0]  }
0x5d: {  	v22 =	vld [tilespmem:s22+$0xFFFFFFB0];
	v23 =	vadd.s32 v11, v20  }
0x5e: {  	v20 =	vadd.s32 v12, v20  }
0x5f: {  	s26 =	simm.s32 $0x6;
	s25 =	spop (v2sf)  }
0x60: {  	v56 =	vmov s26;
	(v2sf) =	vpush v19, $0x7;
	p2 =	seq.s32 s25, $0x0  }
0x61: {  	v24 =	vshrl.u32 v56, $0x3;
	v21 =	vpsel p2, v17, v21  }
0x62: {  	v22 =	vpsel p2, v18, v22;
	[tilespmem:v23+s19+$0x0] =	vst.idx.msk $0xffff, v21;
	v21 =	vshll.u32 v24, v1  }
0x63: {  	[tilespmem:v20+s19+$0x0] =	vst.idx.msk $0xffff, v22;
	v20 =	vbroadcast v21, $0x0  }
0x64: {  	v21 =	vld [tilespmem:s22+$0xFFFFFFC0]  }
0x65: {  	v22 =	vld [tilespmem:s22+$0xFFFFFFD0];
	v23 =	vadd.s32 v13, v20  }
0x66: {  	v20 =	vadd.s32 v14, v20  }
0x67: {  	s29 =	simm.s32 $0x7;
	s28 =	spop (v2sf)  }
0x68: {  	v57 =	vmov s29;
	(v2sf) =	vpush v19, $0x8;
	p3 =	seq.s32 s28, $0x0  }
0x69: {  	v24 =	vshrl.u32 v57, $0x3;
	v21 =	vpsel p3, v17, v21  }
0x6a: {  	v22 =	vpsel p3, v18, v22;
	[tilespmem:v23+s19+$0x0] =	vst.idx.msk $0xffff, v21;
	v21 =	vshll.u32 v24, v1  }
0x6b: {  	[tilespmem:v20+s19+$0x0] =	vst.idx.msk $0xffff, v22;
	v20 =	vbroadcast v21, $0x0  }
0x6c: {  	v21 =	vld [tilespmem:s22+$0xFFFFFFE0]  }
0x6d: {  	v22 =	vld [tilespmem:s22+$0xFFFFFFF0];
	v23 =	vadd.s32 v15, v20  }
0x6e: {  	v20 =	vadd.s32 v16, v20  }
0x6f: {  	s31 =	simm.s32 $0x8;
	s30 =	spop (v2sf)  }
0x70: {  	v58 =	vmov s31;
	(v2sf) =	vpush v19, $0x9;
	p4 =	seq.s32 s30, $0x0  }
0x71: {  	v24 =	vshrl.u32 v58, $0x3;
	v21 =	vpsel p4, v17, v21  }
0x72: {  	v22 =	vpsel p4, v18, v22;
	[tilespmem:v23+s19+$0x0] =	vst.idx.msk $0xffff, v21;
	v21 =	vshll.u32 v24, v1  }
0x73: {  	[tilespmem:v20+s19+$0x0] =	vst.idx.msk $0xffff, v22;
	v20 =	vbroadcast v21, $0x0  }
0x74: {  	v21 =	vld [tilespmem:s22+$0x0]  }
0x75: {  	v22 =	vld [tilespmem:s22+$0x10];
	v23 =	vadd.s32 v0, v20  }
0x76: {  	v20 =	vadd.s32 v2, v20  }
0x77: {  	s11 =	simm.s32 $0x9;
	s2 =	spop (v2sf)  }
0x78: {  	v59 =	vmov s11;
	(v2sf) =	vpush v19, $0xA;
	p5 =	seq.s32 s2, $0x0  }
0x79: {  	v24 =	vshrl.u32 v59, $0x3;
	v21 =	vpsel p5, v17, v21  }
0x7a: {  	v22 =	vpsel p5, v18, v22;
	[tilespmem:v23+s19+$0x0] =	vst.idx.msk $0xffff, v21;
	v21 =	vshll.u32 v24, v1  }
0x7b: {  	[tilespmem:v20+s19+$0x0] =	vst.idx.msk $0xffff, v22;
	v20 =	vbroadcast v21, $0x0  }
0x7c: {  	v21 =	vld [tilespmem:s22+$0x20]  }
0x7d: {  	v22 =	vld [tilespmem:s22+$0x30];
	v23 =	vadd.s32 v3, v20  }
0x7e: {  	v20 =	vadd.s32 v4, v20  }
0x7f: {  	s13 =	simm.s32 $0xA;
	s12 =	spop (v2sf)  }
0x80: {  	v60 =	vmov s13;
	(v2sf) =	vpush v19, $0xB;
	p6 =	seq.s32 s12, $0x0  }
0x81: {  	v24 =	vshrl.u32 v60, $0x3;
	v21 =	vpsel p6, v17, v21  }
0x82: {  	v22 =	vpsel p6, v18, v22;
	[tilespmem:v23+s19+$0x0] =	vst.idx.msk $0xffff, v21;
	v21 =	vshll.u32 v24, v1  }
0x83: {  	[tilespmem:v20+s19+$0x0] =	vst.idx.msk $0xffff, v22;
	v20 =	vbroadcast v21, $0x0  }
0x84: {  	v21 =	vld [tilespmem:s22+$0x40]  }
0x85: {  	v22 =	vld [tilespmem:s22+$0x50];
	v23 =	vadd.s32 v5, v20  }
0x86: {  	v20 =	vadd.s32 v6, v20  }
0x87: {  	s15 =	simm.s32 $0xB;
	s14 =	spop (v2sf)  }
0x88: {  	v61 =	vmov s15;
	(v2sf) =	vpush v19, $0xC;
	p1 =	seq.s32 s14, $0x0  }
0x89: {  	v24 =	vshrl.u32 v61, $0x3;
	v21 =	vpsel p1, v17, v21  }
0x8a: {  	v22 =	vpsel p1, v18, v22;
	[tilespmem:v23+s19+$0x0] =	vst.idx.msk $0xffff, v21;
	v21 =	vshll.u32 v24, v1  }
0x8b: {  	[tilespmem:v20+s19+$0x0] =	vst.idx.msk $0xffff, v22;
	v20 =	vbroadcast v21, $0x0  }
0x8c: {  	v21 =	vld [tilespmem:s22+$0x60]  }
0x8d: {  	v22 =	vld [tilespmem:s22+$0x70];
	v23 =	vadd.s32 v7, v20  }
0x8e: {  	v20 =	vadd.s32 v8, v20  }
0x8f: {  	s23 =	simm.s32 $0xC;
	s16 =	spop (v2sf)  }
0x90: {  	v62 =	vmov s23;
	(v2sf) =	vpush v19, $0xD;
	p2 =	seq.s32 s16, $0x0  }
0x91: {  	v24 =	vshrl.u32 v62, $0x3;
	v21 =	vpsel p2, v17, v21  }
0x92: {  	v22 =	vpsel p2, v18, v22;
	[tilespmem:v23+s19+$0x0] =	vst.idx.msk $0xffff, v21;
	v21 =	vshll.u32 v24, v1  }
0x93: {  	[tilespmem:v20+s19+$0x0] =	vst.idx.msk $0xffff, v22;
	v20 =	vbroadcast v21, $0x0  }
0x94: {  	v21 =	vld [tilespmem:s22+$0x80]  }
0x95: {  	v22 =	vld [tilespmem:s22+$0x90];
	v23 =	vadd.s32 v9, v20  }
0x96: {  	v20 =	vadd.s32 v10, v20  }
0x97: {  	s25 =	simm.s32 $0xD;
	s24 =	spop (v2sf)  }
0x98: {  	v63 =	vmov s25;
	(v2sf) =	vpush v19, $0xE;
	p3 =	seq.s32 s24, $0x0  }
0x99: {  	v24 =	vshrl.u32 v63, $0x3;
	v21 =	vpsel p3, v17, v21  }
0x9a: {  	[tilespmem:v23+s19+$0x0] =	vst.idx.msk $0xffff, v21;
	v21 =	vpsel p3, v18, v22;
	v22 =	vshll.u32 v24, v1  }
0x9b: {  	[tilespmem:v20+s19+$0x0] =	vst.idx.msk $0xffff, v21;
	v20 =	vbroadcast v22, $0x0  }
0x9c: {  	v21 =	vld [tilespmem:s22+$0xA0]  }
0x9d: {  	v22 =	vld [tilespmem:s22+$0xB0];
	v23 =	vadd.s32 v11, v20  }
0x9e: {  	v20 =	vadd.s32 v12, v20  }
0x9f: {  	s28 =	simm.s32 $0xE;
	s26 =	spop (v2sf)  }
0xa0: {  	(v2sf) =	vpush v19, $0xF;
	v19 =	vmov s28;
	p4 =	seq.s32 s26, $0x0  }
0xa1: {  	v19 =	vshrl.u32 v19, $0x3;
	v21 =	vpsel p4, v17, v21  }
0xa2: {  	v19 =	vshll.u32 v19, v1;
	v22 =	vpsel p4, v18, v22;
	[tilespmem:v23+s19+$0x0] =	vst.idx.msk $0xffff, v21  }
0xa3: {  	v19 =	vbroadcast v19, $0x0;
	[tilespmem:v20+s19+$0x0] =	vst.idx.msk $0xffff, v22  }
0xa4: {  	v20 =	vld [tilespmem:s22+$0xC0]  }
0xa5: {  	v22 =	vadd.s32 v13, v19;
	v21 =	vld [tilespmem:s22+$0xD0]  }
0xa6: {  	v19 =	vadd.s32 v14, v19  }
0xa7: {  	s29 =	simm.s32 $0xF;
	s30 =	spop (v2sf)  }
0xa8: {  	p5 =	seq.s32 s30, $0x0;
	v23 =	vmov s29  }
0xa9: {  	v23 =	vshrl.u32 v23, $0x3;
	v20 =	vpsel p5, v17, v20  }
0xaa: {  	v21 =	vpsel p5, v18, v21;
	[tilespmem:v22+s19+$0x0] =	vst.idx.msk $0xffff, v20;
	v20 =	vshll.u32 v23, v1  }
0xab: {  	[tilespmem:v19+s19+$0x0] =	vst.idx.msk $0xffff, v21;
	v19 =	vbroadcast v20, $0x0  }
0xac: {  	v20 =	vld [tilespmem:s22+$0xE0]  }
0xad: {  	v21 =	vld [tilespmem:s22+$0xF0];
	v22 =	vadd.s32 v15, v19  }
0xae: {  	v19 =	vadd.s32 v16, v19  }
0xaf: {  	s31 =	spop (v2sf)  }
0xb0: {  	p6 =	seq.s32 s31, $0x0  }
0xb1: {  	v23 =	vpsel p6, v17, v20  }
0xb2: {  	s23 =	simm.s32 $0x1F;
	v20 =	vpsel p6, v18, v21;
	[tilespmem:v22+s19+$0x0] =	vst.idx.msk $0xffff, v23  }
.LBB2_2:
0xb3: {  	p0 =	sne.s32 s23, $0x1FF;
	[tilespmem:v19+s19+$0x0] =	vst.idx.msk $0xffff, v20;
	s21 =	sadd.s32 $0x10, s21;
	s22 =	sadd.s32 $0x200, s22  }
0xb4: {  	s24 =	smov.u32 s23;
	s23 =	sadd.s32 $0x10, s23;
	v19 =	vld [tilespmem:s21+$0x0];
	_ =	sdelay $0x4  }
0xb5: {  	(v2sf) =	vpush v19, $0x0  }
0xb6: {  	(v2sf) =	vpush v19, $0x1  }
0xb7: {  	(v2sf) =	vpush v19, $0x2  }
0xb8: {  	(v2sf) =	vpush v19, $0x3  }
0xb9: {  	(v2sf) =	vpush v19, $0x4  }
0xba: {  	(v2sf) =	vpush v19, $0x5  }
0xbb: {  	(v2sf) =	vpush v19, $0x6  }
0xbc: {  	s0 =	sadd.s32 $0xFFFFFFF1, s24;
	(v2sf) =	vpush v19, $0x7  }
0xbd: {  	v20 =	vmov s0;
	(v2sf) =	vpush v19, $0x8  }
0xbe: {  	v20 =	vshrl.u32 v20, $0x3;
	(v2sf) =	vpush v19, $0x9  }
0xbf: {  	v20 =	vshll.u32 v20, v1;
	(v2sf) =	vpush v19, $0xA  }
0xc0: {  	v20 =	vbroadcast v20, $0x0;
	(v2sf) =	vpush v19, $0xB  }
0xc1: {  	v21 =	vld [tilespmem:s22+$0xFFFFFF00];
	(v2sf) =	vpush v19, $0xC  }
0xc2: {  	v23 =	vadd.s32 v0, v20;
	v22 =	vld [tilespmem:s22+$0xFFFFFF10];
	(v2sf) =	vpush v19, $0xD  }
0xc3: {  	v20 =	vadd.s32 v2, v20;
	(v2sf) =	vpush v19, $0xE  }
0xc4: {  	s0 =	sadd.s32 $0xFFFFFFF2, s24;
	s1 =	spop (v2sf);
	(v2sf) =	vpush v19, $0xF  }
0xc5: {  	v19 =	vmov s0;
	p1 =	seq.s32 s1, $0x0;
	s0 =	spop (v2sf)  }
0xc6: {  	v19 =	vshrl.u32 v19, $0x3;
	v21 =	vpsel p1, v17, v21;
	s15 =	spop (v2sf)  }
0xc7: {  	v19 =	vshll.u32 v19, v1;
	v22 =	vpsel p1, v18, v22;
	[tilespmem:v23+s19+$0x0] =	vst.idx.msk $0xffff, v21;
	s14 =	spop (v2sf)  }
0xc8: {  	v19 =	vbroadcast v19, $0x0;
	[tilespmem:v20+s19+$0x0] =	vst.idx.msk $0xffff, v22;
	s13 =	spop (v2sf)  }
0xc9: {  	v20 =	vld [tilespmem:s22+$0xFFFFFF20];
	s12 =	spop (v2sf)  }
0xca: {  	v22 =	vadd.s32 v3, v19;
	v21 =	vld [tilespmem:s22+$0xFFFFFF30];
	s11 =	spop (v2sf)  }
0xcb: {  	v19 =	vadd.s32 v4, v19;
	s1 =	spop (v2sf)  }
0xcc: {  	s25 =	sadd.s32 $0xFFFFFFF3, s24;
	s2 =	spop (v2sf)  }
0xcd: {  	p1 =	seq.s32 s0, $0x0;
	v23 =	vmov s25;
	s0 =	spop (v2sf)  }
0xce: {  	v23 =	vshrl.u32 v23, $0x3;
	v20 =	vpsel p1, v17, v20;
	s31 =	spop (v2sf)  }
0xcf: {  	v21 =	vpsel p1, v18, v21;
	[tilespmem:v22+s19+$0x0] =	vst.idx.msk $0xffff, v20;
	v20 =	vshll.u32 v23, v1;
	s30 =	spop (v2sf)  }
0xd0: {  	[tilespmem:v19+s19+$0x0] =	vst.idx.msk $0xffff, v21;
	v19 =	vbroadcast v20, $0x0;
	s29 =	spop (v2sf)  }
0xd1: {  	v20 =	vld [tilespmem:s22+$0xFFFFFF40];
	s28 =	spop (v2sf)  }
0xd2: {  	v21 =	vld [tilespmem:s22+$0xFFFFFF50];
	v22 =	vadd.s32 v5, v19;
	s26 =	spop (v2sf)  }
0xd3: {  	v19 =	vadd.s32 v6, v19;
	s25 =	spop (v2sf)  }
0xd4: {  	s16 =	sadd.s32 $0xFFFFFFF4, s24  }
0xd5: {  	p1 =	seq.s32 s15, $0x0;
	v23 =	vmov s16  }
0xd6: {  	v23 =	vshrl.u32 v23, $0x3;
	v20 =	vpsel p1, v17, v20  }
0xd7: {  	v21 =	vpsel p1, v18, v21;
	[tilespmem:v22+s19+$0x0] =	vst.idx.msk $0xffff, v20;
	v20 =	vshll.u32 v23, v1  }
0xd8: {  	[tilespmem:v19+s19+$0x0] =	vst.idx.msk $0xffff, v21;
	v19 =	vbroadcast v20, $0x0  }
0xd9: {  	v20 =	vld [tilespmem:s22+$0xFFFFFF60]  }
0xda: {  	v21 =	vld [tilespmem:s22+$0xFFFFFF70];
	v22 =	vadd.s32 v7, v19  }
0xdb: {  	v19 =	vadd.s32 v8, v19  }
0xdc: {  	s15 =	sadd.s32 $0xFFFFFFF5, s24  }
0xdd: {  	p1 =	seq.s32 s14, $0x0;
	v23 =	vmov s15  }
0xde: {  	v23 =	vshrl.u32 v23, $0x3;
	v20 =	vpsel p1, v17, v20  }
0xdf: {  	v21 =	vpsel p1, v18, v21;
	[tilespmem:v22+s19+$0x0] =	vst.idx.msk $0xffff, v20;
	v20 =	vshll.u32 v23, v1  }
0xe0: {  	[tilespmem:v19+s19+$0x0] =	vst.idx.msk $0xffff, v21;
	v19 =	vbroadcast v20, $0x0  }
0xe1: {  	v20 =	vld [tilespmem:s22+$0xFFFFFF80]  }
0xe2: {  	v21 =	vld [tilespmem:s22+$0xFFFFFF90];
	v22 =	vadd.s32 v9, v19  }
0xe3: {  	v19 =	vadd.s32 v10, v19  }
0xe4: {  	s14 =	sadd.s32 $0xFFFFFFF6, s24  }
0xe5: {  	p1 =	seq.s32 s13, $0x0;
	v23 =	vmov s14  }
0xe6: {  	v23 =	vshrl.u32 v23, $0x3;
	v20 =	vpsel p1, v17, v20  }
0xe7: {  	v21 =	vpsel p1, v18, v21;
	[tilespmem:v22+s19+$0x0] =	vst.idx.msk $0xffff, v20;
	v20 =	vshll.u32 v23, v1  }
0xe8: {  	[tilespmem:v19+s19+$0x0] =	vst.idx.msk $0xffff, v21;
	v19 =	vbroadcast v20, $0x0  }
0xe9: {  	v20 =	vld [tilespmem:s22+$0xFFFFFFA0]  }
0xea: {  	v21 =	vld [tilespmem:s22+$0xFFFFFFB0];
	v22 =	vadd.s32 v11, v19  }
0xeb: {  	v19 =	vadd.s32 v12, v19  }
0xec: {  	s13 =	sadd.s32 $0xFFFFFFF7, s24  }
0xed: {  	p1 =	seq.s32 s12, $0x0;
	v23 =	vmov s13  }
0xee: {  	v23 =	vshrl.u32 v23, $0x3;
	v20 =	vpsel p1, v17, v20  }
0xef: {  	v21 =	vpsel p1, v18, v21;
	[tilespmem:v22+s19+$0x0] =	vst.idx.msk $0xffff, v20;
	v20 =	vshll.u32 v23, v1  }
0xf0: {  	[tilespmem:v19+s19+$0x0] =	vst.idx.msk $0xffff, v21;
	v19 =	vbroadcast v20, $0x0  }
0xf1: {  	v20 =	vld [tilespmem:s22+$0xFFFFFFC0]  }
0xf2: {  	v21 =	vld [tilespmem:s22+$0xFFFFFFD0];
	v22 =	vadd.s32 v13, v19  }
0xf3: {  	v19 =	vadd.s32 v14, v19  }
0xf4: {  	s12 =	sadd.s32 $0xFFFFFFF8, s24  }
0xf5: {  	p1 =	seq.s32 s11, $0x0;
	v23 =	vmov s12  }
0xf6: {  	v23 =	vshrl.u32 v23, $0x3;
	v20 =	vpsel p1, v17, v20  }
0xf7: {  	v21 =	vpsel p1, v18, v21;
	[tilespmem:v22+s19+$0x0] =	vst.idx.msk $0xffff, v20;
	v20 =	vshll.u32 v23, v1  }
0xf8: {  	[tilespmem:v19+s19+$0x0] =	vst.idx.msk $0xffff, v21;
	v19 =	vbroadcast v20, $0x0  }
0xf9: {  	v20 =	vld [tilespmem:s22+$0xFFFFFFE0]  }
0xfa: {  	v21 =	vld [tilespmem:s22+$0xFFFFFFF0];
	v22 =	vadd.s32 v15, v19  }
0xfb: {  	v19 =	vadd.s32 v16, v19  }
0xfc: {  	s11 =	sadd.s32 $0xFFFFFFF9, s24  }
0xfd: {  	p1 =	seq.s32 s1, $0x0;
	v23 =	vmov s11  }
0xfe: {  	v23 =	vshrl.u32 v23, $0x3;
	v20 =	vpsel p1, v17, v20  }
0xff: {  	v21 =	vpsel p1, v18, v21;
	[tilespmem:v22+s19+$0x0] =	vst.idx.msk $0xffff, v20;
	v20 =	vshll.u32 v23, v1  }
0x100: {  	[tilespmem:v19+s19+$0x0] =	vst.idx.msk $0xffff, v21;
	v19 =	vbroadcast v20, $0x0  }
0x101: {  	v20 =	vld [tilespmem:s22+$0x0]  }
0x102: {  	v21 =	vld [tilespmem:s22+$0x10];
	v22 =	vadd.s32 v0, v19  }
0x103: {  	v19 =	vadd.s32 v2, v19  }
0x104: {  	s1 =	sadd.s32 $0xFFFFFFFA, s24  }
0x105: {  	p1 =	seq.s32 s2, $0x0;
	v23 =	vmov s1  }
0x106: {  	v23 =	vshrl.u32 v23, $0x3;
	v20 =	vpsel p1, v17, v20  }
0x107: {  	v21 =	vpsel p1, v18, v21;
	[tilespmem:v22+s19+$0x0] =	vst.idx.msk $0xffff, v20;
	v20 =	vshll.u32 v23, v1  }
0x108: {  	[tilespmem:v19+s19+$0x0] =	vst.idx.msk $0xffff, v21;
	v19 =	vbroadcast v20, $0x0  }
0x109: {  	v20 =	vld [tilespmem:s22+$0x20]  }
0x10a: {  	v21 =	vld [tilespmem:s22+$0x30];
	v22 =	vadd.s32 v3, v19  }
0x10b: {  	v19 =	vadd.s32 v4, v19  }
0x10c: {  	s1 =	sadd.s32 $0xFFFFFFFB, s24  }
0x10d: {  	p1 =	seq.s32 s0, $0x0;
	v23 =	vmov s1  }
0x10e: {  	v23 =	vshrl.u32 v23, $0x3;
	v20 =	vpsel p1, v17, v20  }
0x10f: {  	v21 =	vpsel p1, v18, v21;
	[tilespmem:v22+s19+$0x0] =	vst.idx.msk $0xffff, v20;
	v20 =	vshll.u32 v23, v1  }
0x110: {  	[tilespmem:v19+s19+$0x0] =	vst.idx.msk $0xffff, v21;
	v19 =	vbroadcast v20, $0x0  }
0x111: {  	v20 =	vld [tilespmem:s22+$0x40]  }
0x112: {  	v21 =	vld [tilespmem:s22+$0x50];
	v22 =	vadd.s32 v5, v19  }
0x113: {  	v19 =	vadd.s32 v6, v19  }
0x114: {  	s0 =	sadd.s32 $0xFFFFFFFC, s24  }
0x115: {  	p1 =	seq.s32 s31, $0x0;
	v23 =	vmov s0  }
0x116: {  	v23 =	vshrl.u32 v23, $0x3;
	v20 =	vpsel p1, v17, v20  }
0x117: {  	v21 =	vpsel p1, v18, v21;
	[tilespmem:v22+s19+$0x0] =	vst.idx.msk $0xffff, v20;
	v20 =	vshll.u32 v23, v1  }
0x118: {  	[tilespmem:v19+s19+$0x0] =	vst.idx.msk $0xffff, v21;
	v19 =	vbroadcast v20, $0x0  }
0x119: {  	v20 =	vld [tilespmem:s22+$0x60]  }
0x11a: {  	v21 =	vld [tilespmem:s22+$0x70];
	v22 =	vadd.s32 v7, v19  }
0x11b: {  	v19 =	vadd.s32 v8, v19  }
0x11c: {  	s0 =	sadd.s32 $0xFFFFFFFD, s24  }
0x11d: {  	p1 =	seq.s32 s30, $0x0;
	v23 =	vmov s0  }
0x11e: {  	v23 =	vshrl.u32 v23, $0x3;
	v20 =	vpsel p1, v17, v20  }
0x11f: {  	v21 =	vpsel p1, v18, v21;
	[tilespmem:v22+s19+$0x0] =	vst.idx.msk $0xffff, v20;
	v20 =	vshll.u32 v23, v1  }
0x120: {  	[tilespmem:v19+s19+$0x0] =	vst.idx.msk $0xffff, v21;
	v19 =	vbroadcast v20, $0x0  }
0x121: {  	v20 =	vld [tilespmem:s22+$0x80]  }
0x122: {  	v21 =	vld [tilespmem:s22+$0x90];
	v22 =	vadd.s32 v9, v19  }
0x123: {  	v19 =	vadd.s32 v10, v19  }
0x124: {  	s0 =	sadd.s32 $0xFFFFFFFE, s24  }
0x125: {  	p1 =	seq.s32 s29, $0x0;
	v23 =	vmov s0  }
0x126: {  	v23 =	vshrl.u32 v23, $0x3;
	v20 =	vpsel p1, v17, v20  }
0x127: {  	v21 =	vpsel p1, v18, v21;
	[tilespmem:v22+s19+$0x0] =	vst.idx.msk $0xffff, v20;
	v20 =	vshll.u32 v23, v1  }
0x128: {  	[tilespmem:v19+s19+$0x0] =	vst.idx.msk $0xffff, v21;
	v19 =	vbroadcast v20, $0x0  }
0x129: {  	v20 =	vld [tilespmem:s22+$0xA0]  }
0x12a: {  	v21 =	vld [tilespmem:s22+$0xB0];
	v22 =	vadd.s32 v11, v19  }
0x12b: {  	v19 =	vadd.s32 v12, v19  }
0x12c: {  	s0 =	sadd.s32 $0xFFFFFFFF, s24  }
0x12d: {  	p1 =	seq.s32 s28, $0x0;
	v23 =	vmov s0  }
0x12e: {  	v23 =	vshrl.u32 v23, $0x3;
	v20 =	vpsel p1, v17, v20  }
0x12f: {  	v21 =	vpsel p1, v18, v21;
	[tilespmem:v22+s19+$0x0] =	vst.idx.msk $0xffff, v20;
	v20 =	vshll.u32 v23, v1  }
0x130: {  	[tilespmem:v19+s19+$0x0] =	vst.idx.msk $0xffff, v21;
	v19 =	vbroadcast v20, $0x0  }
0x131: {  	v20 =	vld [tilespmem:s22+$0xC0]  }
0x132: {  	v21 =	vld [tilespmem:s22+$0xD0];
	v22 =	vadd.s32 v13, v19  }
0x133: {  	v19 =	vadd.s32 v14, v19;
	_ =	sdelay $0x1  }
0x134: {  	p1 =	seq.s32 s26, $0x0;
	v23 =	vmov s24  }
0x135: {  	v23 =	vshrl.u32 v23, $0x3;
	v20 =	vpsel p1, v17, v20  }
0x136: {  	v21 =	vpsel p1, v18, v21;
	[tilespmem:v22+s19+$0x0] =	vst.idx.msk $0xffff, v20;
	v20 =	vshll.u32 v23, v1  }
0x137: {  	[tilespmem:v19+s19+$0x0] =	vst.idx.msk $0xffff, v21;
	v19 =	vbroadcast v20, $0x0  }
0x138: {  	v20 =	vld [tilespmem:s22+$0xE0]  }
0x139: {  	v21 =	vld [tilespmem:s22+$0xF0];
	v22 =	vadd.s32 v15, v19  }
.Ltmp0:
0x13a: {  	v19 =	vadd.s32 v16, v19;
	(pc) =	sbr.rel @p0 .LBB2_2-.Ltmp0, $4  }
0x13b: {  	_ = 	snop  }
0x13c: {  	p1 =	seq.s32 s25, $0x0  }
0x13d: {  	v23 =	vpsel p1, v17, v20  }
0x13e: {  	v20 =	vpsel p1, v18, v21;
	[tilespmem:v22+s19+$0x0] =	vst.idx.msk $0xffff, v23  }
0x13f: {  	_ =	sdelay $0x2  }
0x140: {  	s0 =	simm.s32 $0x4420  }
0x141: {  	[tilespmem:v19+s19+$0x0] =	vst.idx.msk $0xffff, v20;
	s1 =	simm.s32 $0x800;
	s11 =	sadd.s32 $0x0, s7;
	s2 =	simm.s32 $0x4628  }
.LBB2_4:
0x142: {  	[hbm4b:s11+s3] =	stream.linear.scatter [tilespmem:s0], [sflag:$0x2], $0x200, $0x38;
	[tilespmem:$0x8520] =	vst v63  }
0x143: {  	s11 =	smov.u32 s1;
	s0 =	smov.u32 s2;
	p0 =	sne.s32 s1, $0xF800  }
.Ltmp1:
0x144: {  	s1 =	sadd.s32 $0x800, s1;
	(pc) =	sbr.rel @p0 .LBB2_4-.Ltmp1, $2  }
0x145: {  	_ =	sdelay $0x2  }
0x146: {  	s2 =	sadd.s32 $0x208, s2;
	s11 =	sadd.s32 s11, s7  }
0x147: {  	s20 =	sadd.s32 $0x1, s20  }
0x148: {  	p0 =	sne.s32 s20, s8  }
.Ltmp2:
0x149: {  	_ = 	snop;
	(pc) =	sbr.rel @p0 .LBB2_1-.Ltmp2, $4  }
0x14a: {  	[hbm4b:s11+s3] =	stream.linear.scatter [tilespmem:s0], [sflag:$0x2], $0x200, $0x38;
	[tilespmem:$0x8520] =	vst v63  }
0x14b: {  	_ =	swait.ge [sflag:s9], $0x4000  }
0x14c: {  	[sflag:s9] =	ssyncset.done $0x0  }
0x14d: {  	[sflag:s9] =	ssyncadd.s32 $0xFFFFC000  }
0x14e: {  	_ =	sfence.sel $0x180000  }
0x14f: {  	[bflag:$0x0] =	sbarrier.arrive $0xFFFF  }
0x150: {  	_ =	strace $0x9000004A  }
0x151: {  	s0 =	stileid.u32;
	[bflag:$0x2] =	sbarrier.arrive $0xFFFF  }
0x152: {  	p0 =	sne.s32 s0, $0x0;
	s0 =	rddreg [dreg:$0x3]  }
0x153: {  	s0 =	sadd.s32 @!p0 $0x100000, s0  }
0x154: {  	[sflag:s0] =	ssyncadd.tile.s32 @!p0 $0x1;
	_ =	shalt  }
.Lfunc_end2:
_tile_overlayer_lowered:
.L_overlay_start_2:
0x155: {  	(tag) =	ssettag $0x2  }
0x156: {  	s0 =	rddreg [dreg:$0x0];
	s2 =	stileid.u32  }
0x157: {  	s1 =	rddreg [dreg:$0x1];
	p0 =	sne.s32 s2, $0x0  }
0x158: {  	s3 =	rddreg [dreg:$0x2];
	[bflag:$0x3] =	sbarrier.arrive $0xFFFF;
	s2 =	simm.s32 @!p0 $0x1C02  }
0x159: {  	[timem:s3], [sflag:s2] =	dma.local @!p0 [hbm:s0], s1  }
0x15a: {  	s0 =	simm.s32 @!p0 $0x2  }
0x15b: {  	_ =	swait.ge @!p0 [sflag:s0], s1  }
0x15c: {  	s1 =	ssub.s32 @!p0 $0x0, s1;
	[sflag:s0] =	ssyncset.done @!p0 $0x0  }
0x15d: {  	[sflag:s0] =	ssyncadd.s32 @!p0 s1  }
0x15e: {  	[bflag:$0x3] =	sbarrier.arrive $0xFFFF  }
0x15f: {  	_ =	shalt  }

</sc_bundles>
